<compile_context>
chip_gen: v7x
topology: tpu7x:2x2x1
jax: 0.10.2.dev20260603
libtpu: 0.0.44.dev20260713+nightly
codegen_flags: <defaults>
</compile_context>

<pallas_src>
import functools

import jax
import jax.numpy as jnp
from jax import lax
from jax.experimental import pallas as pl
from jax.experimental.pallas import tpu as pltpu
from jax.experimental.pallas import tpu_sc as plsc

_B = 16384
_D = 32
_MARGIN = 1.0
_NW = 32
_PER_W = _B // _NW
_CH = 128
_NCH = _PER_W // _CH
_BK = 2048


def _sc_gather(ent_w, rel_w, idx_all):
    mesh = plsc.VectorSubcoreMesh(core_axis_name="c", subcore_axis_name="s")

    @functools.partial(
        pl.kernel,
        out_type=jax.ShapeDtypeStruct((6, _B, _D), jnp.float32),
        mesh=mesh,
        compiler_params=pltpu.CompilerParams(use_tc_tiling_on_sc=False),
        scratch_types=[
            pltpu.VMEM((6, _NCH, _CH), jnp.int32),
            pltpu.VMEM((6 * _PER_W, _D), jnp.float32),
            pltpu.SemaphoreType.DMA,
        ],
    )
    def gather_kernel(ent_hbm, rel_hbm, idx_hbm, out_hbm, idx_v, rows_v, sem):
        wid = lax.axis_index("s") * 2 + lax.axis_index("c")
        tables = [ent_hbm, rel_hbm, ent_hbm, ent_hbm, rel_hbm, ent_hbm]
        row0 = wid * _NCH
        for a in range(6):
            pltpu.sync_copy(idx_hbm.at[a, pl.ds(row0, _NCH)], idx_v.at[a])
        copies = []
        for a in range(6):
            for j in range(_NCH):
                c = pltpu.make_async_copy(
                    tables[a].at[idx_v.at[a, j]],
                    rows_v.at[pl.ds(a * _PER_W + j * _CH, _CH)],
                    sem,
                )
                c.start()
                copies.append(c)
        for c in copies:
            c.wait()
        base = wid * _PER_W
        for a in range(6):
            pltpu.sync_copy(rows_v.at[pl.ds(a * _PER_W, _PER_W)],
                            out_hbm.at[a, pl.ds(base, _PER_W)])

    return gather_kernel(ent_w, rel_w, idx_all)


def _tc_body(g_ref, pos_ref, neg_ref, loss_ref):
    i = pl.program_id(0)
    gb = g_ref[...]

    def ndist(h, r, t):
        h = h / jnp.sqrt(jnp.sum(h * h, axis=1, keepdims=True))
        t = t / jnp.sqrt(jnp.sum(t * t, axis=1, keepdims=True))
        r = r / jnp.sum(jnp.abs(r), axis=1, keepdims=True)
        return jnp.sum(jnp.abs(h + r - t), axis=1)

    pd = ndist(gb[0], gb[1], gb[2])
    nd = ndist(gb[3], gb[4], gb[5])
    pos_ref[...] = pd
    neg_ref[...] = nd
    part = jnp.sum(jnp.maximum(pd - nd + _MARGIN, 0.0)).reshape(1, 1)

    @pl.when(i == 0)
    def _():
        loss_ref[...] = part

    @pl.when(i > 0)
    def _():
        loss_ref[...] = loss_ref[...] + part


def _tc_compute(g):
    return pl.pallas_call(
        _tc_body,
        grid=(_B // _BK,),
        in_specs=[pl.BlockSpec((6, _BK, _D), lambda i: (0, i, 0))],
        out_specs=[
            pl.BlockSpec((_BK,), lambda i: (i,)),
            pl.BlockSpec((_BK,), lambda i: (i,)),
            pl.BlockSpec((1, 1), lambda i: (0, 0)),
        ],
        out_shape=[
            jax.ShapeDtypeStruct((_B,), jnp.float32),
            jax.ShapeDtypeStruct((_B,), jnp.float32),
            jax.ShapeDtypeStruct((1, 1), jnp.float32),
        ],
    )(g)


def kernel(ent_w, rel_w, pos, neg):
    idx = jnp.concatenate([pos.T, neg.T], axis=0).astype(jnp.int32)
    idx = idx.reshape(6, _B // _CH, _CH)
    g = _sc_gather(ent_w, rel_w, idx)
    pos_d, neg_d, loss = _tc_compute(g)
    return (loss[0, 0] / _B, pos_d, neg_d)

# --- scband reference (transcript-rebuilt; emitter-appended) ---
"""Pipeline reference for scband-trans-e-40948218200391 (READ-ONLY COPY).

The authoritative reference and input builder live on the scoring server;
editing this copy changes nothing except your own understanding.
"""

import jax, jax.numpy as jnp
import numpy as np
import math

N_ENTS = 1000000
N_RELS = 1000000
HIDDEN = 32
MARGIN = 1.0
NORM = 1
BATCH = 16384


def _normalize_tables(ent_w, rel_w):
    # forward() renormalizes in-place: entity rows L2, relation rows L1 (except padding row)
    ent_n = jnp.linalg.norm(ent_w[:-1], ord=2, axis=1, keepdims=True)
    ent_w = ent_w.at[:-1].set(ent_w[:-1] / ent_n)
    rel_n = jnp.sum(jnp.abs(rel_w[:-1]), axis=1, keepdims=True)
    rel_w = rel_w.at[:-1].set(rel_w[:-1] / rel_n)
    return ent_w, rel_w


def setup_inputs(seed: int = 0) -> dict:
    key = jax.random.key(seed)
    k1, k2, k3, k4 = jax.random.split(key, 4)
    ur = 6.0 / math.sqrt(HIDDEN)
    ent_w = jax.random.uniform(k1, (N_ENTS + 1, HIDDEN), dtype=jnp.float32, minval=-ur, maxval=ur)
    rel_w = jax.random.uniform(k2, (N_RELS + 1, HIDDEN), dtype=jnp.float32, minval=-ur, maxval=ur)
    # init-time L1 normalization of relation rows (except padding)
    rel_w = rel_w.at[:-1].set(rel_w[:-1] / jnp.sum(jnp.abs(rel_w[:-1]), axis=1, keepdims=True))
    pos = jax.random.randint(k3, (BATCH, 3), 0, N_ENTS, dtype=jnp.int64 if jax.config.jax_enable_x64 else jnp.int32)
    neg = jax.random.randint(k4, (BATCH, 3), 0, N_ENTS, dtype=jnp.int64 if jax.config.jax_enable_x64 else jnp.int32)
    return {"ent_w": ent_w, "rel_w": rel_w, "pos": pos, "neg": neg}


def _distance(ent_w, rel_w, triplets):
    h = jnp.take(ent_w, triplets[:, 0], axis=0)
    r = jnp.take(rel_w, triplets[:, 1], axis=0)
    t = jnp.take(ent_w, triplets[:, 2], axis=0)
    d = h + r - t
    if NORM == 1:
        return jnp.sum(jnp.abs(d), axis=1)
    return jnp.sqrt(jnp.sum(d * d, axis=1))


def reference(ent_w, rel_w, pos, neg):
    ent_w, rel_w = _normalize_tables(ent_w, rel_w)
    pos_dist = _distance(ent_w, rel_w, pos)
    neg_dist = _distance(ent_w, rel_w, neg)
    # MarginRankingLoss with target y = -1: mean(max(0, -y*(x1-x2) + margin)) = mean(max(0, x1-x2+margin))
    loss = jnp.mean(jnp.maximum(pos_dist - neg_dist + MARGIN, 0.0))
    return (loss, pos_dist, neg_dist)

if __name__ == "__main__":
    import jax
    _d = setup_inputs()
    print(jax.jit(kernel)(*tuple(_d.values())))

</pallas_src>

<mosaic_0001>
#map = affine_map<(d0, d1) -> (0, 0)>
#map1 = affine_map<(d0, d1) -> (0, 0, 0)>
module attributes {stable_mosaic.version = 14 : i64} {
  func.func @gather_kernel(%arg0: i32, %arg1: i32, %arg2: memref<1000001x32xf32, #tpu.memory_space<hbm>>, %arg3: memref<1000001x32xf32, #tpu.memory_space<hbm>>, %arg4: memref<6x128x128xi32, #tpu.memory_space<hbm>>, %arg5: memref<6x16384x32xf32, #tpu.memory_space<hbm>>, %arg6: memref<6x4x128xi32, #tpu.memory_space<vmem>>, %arg7: memref<3072x32xf32, #tpu.memory_space<vmem>>, %arg8: memref<!tpu.dma_semaphore, #tpu.memory_space<semaphore_mem>>) attributes {dimension_semantics = [#tpu.dimension_semantics<core_parallel>, #tpu.dimension_semantics<subcore_parallel>], iteration_bounds = array<i64: 2, 16>, scalar_prefetch = 0 : i64, scratch_operands = 3 : i64, tpu.core_type = #tpu.core_type<sc_vector_subcore>, window_params = [{transform_indices = #map}, {transform_indices = #map}, {transform_indices = #map1}, {transform_indices = #map1}]} {
    %mul3A = arith.constant 2 : i32
    %mul3A_0 = arith.muli %arg1, %mul3A : i32
    %add3A = arith.addi %mul3A_0, %arg0 : i32
    %mul3A_1 = arith.constant 4 : i32
    %mul3A_2 = arith.muli %add3A, %mul3A_1 : i32
    %run_scoped3A = arith.constant 0 : i32
    %run_scoped3A_3 = arith.constant 0 : i32
    "tpu.region"() ({
      %run_scoped3A_548 = tpu.sem_alloc : memref<!tpu.dma_semaphore, #tpu.memory_space<semaphore_mem>>
      %dma_start3A_549 = arith.constant 0 : i32
      %dma_start3A_550 = arith.constant 0 : i32
      %dma_start3A_551 = tpu.memref_slice %arg6[%run_scoped3A_3, %dma_start3A_549, %dma_start3A_550] : memref<6x4x128xi32, #tpu.memory_space<vmem>> -> memref<1x4x128xi32, #tpu.memory_space<vmem>>
      %dma_start3A_552 = tpu.memref_squeeze %dma_start3A_551 : memref<1x4x128xi32, #tpu.memory_space<vmem>> -> memref<4x128xi32, #tpu.memory_space<vmem>>
      %dma_start3A_553 = arith.constant 0 : i32
      %dma_start3A_554 = tpu.memref_slice %arg4[%run_scoped3A, %mul3A_2, %dma_start3A_553] : memref<6x128x128xi32, #tpu.memory_space<hbm>> -> memref<1x4x128xi32, #tpu.memory_space<hbm>>
      %dma_start3A_555 = tpu.memref_squeeze %dma_start3A_554 : memref<1x4x128xi32, #tpu.memory_space<hbm>> -> memref<4x128xi32, #tpu.memory_space<hbm>>
      %dma_start3A_556 = arith.constant 0 : i32
      %dma_start3A_557 = arith.constant 0 : i32
      %dma_start3A_558 = tpu.memref_slice %arg6[%run_scoped3A_3, %dma_start3A_556, %dma_start3A_557] : memref<6x4x128xi32, #tpu.memory_space<vmem>> -> memref<1x4x128xi32, #tpu.memory_space<vmem>>
      %dma_start3A_559 = tpu.memref_squeeze %dma_start3A_558 : memref<1x4x128xi32, #tpu.memory_space<vmem>> -> memref<4x128xi32, #tpu.memory_space<vmem>>
      %dma_start3A_560 = arith.constant 0 : i32
      %dma_start3A_561 = tpu.memref_slice %arg4[%run_scoped3A, %mul3A_2, %dma_start3A_560] : memref<6x128x128xi32, #tpu.memory_space<hbm>> -> memref<1x4x128xi32, #tpu.memory_space<hbm>>
      %dma_start3A_562 = tpu.memref_squeeze %dma_start3A_561 : memref<1x4x128xi32, #tpu.memory_space<hbm>> -> memref<4x128xi32, #tpu.memory_space<hbm>>
      tpu.enqueue_dma source(%dma_start3A_562 : memref<4x128xi32, #tpu.memory_space<hbm>>) target(%dma_start3A_559 : memref<4x128xi32, #tpu.memory_space<vmem>>) target_semaphore(%run_scoped3A_548 : memref<!tpu.dma_semaphore, #tpu.memory_space<semaphore_mem>>)
      %dma_wait3A_563 = arith.constant 0 : i32
      %dma_wait3A_564 = arith.constant 0 : i32
      %dma_wait3A_565 = tpu.memref_slice %arg6[%run_scoped3A_3, %dma_wait3A_563, %dma_wait3A_564] : memref<6x4x128xi32, #tpu.memory_space<vmem>> -> memref<1x4x128xi32, #tpu.memory_space<vmem>>
      %dma_wait3A_566 = tpu.memref_squeeze %dma_wait3A_565 : memref<1x4x128xi32, #tpu.memory_space<vmem>> -> memref<4x128xi32, #tpu.memory_space<vmem>>
      %dma_wait3A_567 = arith.constant 0 : i32
      %dma_wait3A_568 = tpu.memref_slice %arg4[%run_scoped3A, %mul3A_2, %dma_wait3A_567] : memref<6x128x128xi32, #tpu.memory_space<hbm>> -> memref<1x4x128xi32, #tpu.memory_space<hbm>>
      %dma_wait3A_569 = tpu.memref_squeeze %dma_wait3A_568 : memref<1x4x128xi32, #tpu.memory_space<hbm>> -> memref<4x128xi32, #tpu.memory_space<hbm>>
      %dma_wait3A_570 = arith.constant 0 : i32
      %dma_wait3A_571 = arith.constant 0 : i32
      %dma_wait3A_572 = tpu.memref_slice %arg6[%run_scoped3A_3, %dma_wait3A_570, %dma_wait3A_571] : memref<6x4x128xi32, #tpu.memory_space<vmem>> -> memref<1x4x128xi32, #tpu.memory_space<vmem>>
      %dma_wait3A_573 = tpu.memref_squeeze %dma_wait3A_572 : memref<1x4x128xi32, #tpu.memory_space<vmem>> -> memref<4x128xi32, #tpu.memory_space<vmem>>
      %dma_wait3A_574 = arith.constant 0 : i32
      %dma_wait3A_575 = tpu.memref_slice %arg4[%run_scoped3A, %mul3A_2, %dma_wait3A_574] : memref<6x128x128xi32, #tpu.memory_space<hbm>> -> memref<1x4x128xi32, #tpu.memory_space<hbm>>
      %dma_wait3A_576 = tpu.memref_squeeze %dma_wait3A_575 : memref<1x4x128xi32, #tpu.memory_space<hbm>> -> memref<4x128xi32, #tpu.memory_space<hbm>>
      tpu.wait_dma2 semaphore(%run_scoped3A_548 : memref<!tpu.dma_semaphore, #tpu.memory_space<semaphore_mem>>) src(%dma_wait3A_576 : memref<4x128xi32, #tpu.memory_space<hbm>>) dst(%dma_wait3A_573 : memref<4x128xi32, #tpu.memory_space<vmem>>)
      tpu.yield
    }) : () -> ()
    %run_scoped3A_4 = arith.constant 1 : i32
    %run_scoped3A_5 = arith.constant 1 : i32
    "tpu.region"() ({
      %run_scoped3A_548 = tpu.sem_alloc : memref<!tpu.dma_semaphore, #tpu.memory_space<semaphore_mem>>
      %dma_start3A_549 = arith.constant 0 : i32
      %dma_start3A_550 = arith.constant 0 : i32
      %dma_start3A_551 = tpu.memref_slice %arg6[%run_scoped3A_5, %dma_start3A_549, %dma_start3A_550] : memref<6x4x128xi32, #tpu.memory_space<vmem>> -> memref<1x4x128xi32, #tpu.memory_space<vmem>>
      %dma_start3A_552 = tpu.memref_squeeze %dma_start3A_551 : memref<1x4x128xi32, #tpu.memory_space<vmem>> -> memref<4x128xi32, #tpu.memory_space<vmem>>
      %dma_start3A_553 = arith.constant 0 : i32
      %dma_start3A_554 = tpu.memref_slice %arg4[%run_scoped3A_4, %mul3A_2, %dma_start3A_553] : memref<6x128x128xi32, #tpu.memory_space<hbm>> -> memref<1x4x128xi32, #tpu.memory_space<hbm>>
      %dma_start3A_555 = tpu.memref_squeeze %dma_start3A_554 : memref<1x4x128xi32, #tpu.memory_space<hbm>> -> memref<4x128xi32, #tpu.memory_space<hbm>>
      %dma_start3A_556 = arith.constant 0 : i32
      %dma_start3A_557 = arith.constant 0 : i32
      %dma_start3A_558 = tpu.memref_slice %arg6[%run_scoped3A_5, %dma_start3A_556, %dma_start3A_557] : memref<6x4x128xi32, #tpu.memory_space<vmem>> -> memref<1x4x128xi32, #tpu.memory_space<vmem>>
      %dma_start3A_559 = tpu.memref_squeeze %dma_start3A_558 : memref<1x4x128xi32, #tpu.memory_space<vmem>> -> memref<4x128xi32, #tpu.memory_space<vmem>>
      %dma_start3A_560 = arith.constant 0 : i32
      %dma_start3A_561 = tpu.memref_slice %arg4[%run_scoped3A_4, %mul3A_2, %dma_start3A_560] : memref<6x128x128xi32, #tpu.memory_space<hbm>> -> memref<1x4x128xi32, #tpu.memory_space<hbm>>
      %dma_start3A_562 = tpu.memref_squeeze %dma_start3A_561 : memref<1x4x128xi32, #tpu.memory_space<hbm>> -> memref<4x128xi32, #tpu.memory_space<hbm>>
      tpu.enqueue_dma source(%dma_start3A_562 : memref<4x128xi32, #tpu.memory_space<hbm>>) target(%dma_start3A_559 : memref<4x128xi32, #tpu.memory_space<vmem>>) target_semaphore(%run_scoped3A_548 : memref<!tpu.dma_semaphore, #tpu.memory_space<semaphore_mem>>)
      %dma_wait3A_563 = arith.constant 0 : i32
      %dma_wait3A_564 = arith.constant 0 : i32
      %dma_wait3A_565 = tpu.memref_slice %arg6[%run_scoped3A_5, %dma_wait3A_563, %dma_wait3A_564] : memref<6x4x128xi32, #tpu.memory_space<vmem>> -> memref<1x4x128xi32, #tpu.memory_space<vmem>>
      %dma_wait3A_566 = tpu.memref_squeeze %dma_wait3A_565 : memref<1x4x128xi32, #tpu.memory_space<vmem>> -> memref<4x128xi32, #tpu.memory_space<vmem>>
      %dma_wait3A_567 = arith.constant 0 : i32
      %dma_wait3A_568 = tpu.memref_slice %arg4[%run_scoped3A_4, %mul3A_2, %dma_wait3A_567] : memref<6x128x128xi32, #tpu.memory_space<hbm>> -> memref<1x4x128xi32, #tpu.memory_space<hbm>>
      %dma_wait3A_569 = tpu.memref_squeeze %dma_wait3A_568 : memref<1x4x128xi32, #tpu.memory_space<hbm>> -> memref<4x128xi32, #tpu.memory_space<hbm>>
      %dma_wait3A_570 = arith.constant 0 : i32
      %dma_wait3A_571 = arith.constant 0 : i32
      %dma_wait3A_572 = tpu.memref_slice %arg6[%run_scoped3A_5, %dma_wait3A_570, %dma_wait3A_571] : memref<6x4x128xi32, #tpu.memory_space<vmem>> -> memref<1x4x128xi32, #tpu.memory_space<vmem>>
      %dma_wait3A_573 = tpu.memref_squeeze %dma_wait3A_572 : memref<1x4x128xi32, #tpu.memory_space<vmem>> -> memref<4x128xi32, #tpu.memory_space<vmem>>
      %dma_wait3A_574 = arith.constant 0 : i32
      %dma_wait3A_575 = tpu.memref_slice %arg4[%run_scoped3A_4, %mul3A_2, %dma_wait3A_574] : memref<6x128x128xi32, #tpu.memory_space<hbm>> -> memref<1x4x128xi32, #tpu.memory_space<hbm>>
      %dma_wait3A_576 = tpu.memref_squeeze %dma_wait3A_575 : memref<1x4x128xi32, #tpu.memory_space<hbm>> -> memref<4x128xi32, #tpu.memory_space<hbm>>
      tpu.wait_dma2 semaphore(%run_scoped3A_548 : memref<!tpu.dma_semaphore, #tpu.memory_space<semaphore_mem>>) src(%dma_wait3A_576 : memref<4x128xi32, #tpu.memory_space<hbm>>) dst(%dma_wait3A_573 : memref<4x128xi32, #tpu.memory_space<vmem>>)
      tpu.yield
    }) : () -> ()
    %run_scoped3A_6 = arith.constant 2 : i32
    %run_scoped3A_7 = arith.constant 2 : i32
    "tpu.region"() ({
      %run_scoped3A_548 = tpu.sem_alloc : memref<!tpu.dma_semaphore, #tpu.memory_space<semaphore_mem>>
      %dma_start3A_549 = arith.constant 0 : i32
      %dma_start3A_550 = arith.constant 0 : i32
      %dma_start3A_551 = tpu.memref_slice %arg6[%run_scoped3A_7, %dma_start3A_549, %dma_start3A_550] : memref<6x4x128xi32, #tpu.memory_space<vmem>> -> memref<1x4x128xi32, #tpu.memory_space<vmem>>
      %dma_start3A_552 = tpu.memref_squeeze %dma_start3A_551 : memref<1x4x128xi32, #tpu.memory_space<vmem>> -> memref<4x128xi32, #tpu.memory_space<vmem>>
      %dma_start3A_553 = arith.constant 0 : i32
      %dma_start3A_554 = tpu.memref_slice %arg4[%run_scoped3A_6, %mul3A_2, %dma_start3A_553] : memref<6x128x128xi32, #tpu.memory_space<hbm>> -> memref<1x4x128xi32, #tpu.memory_space<hbm>>
      %dma_start3A_555 = tpu.memref_squeeze %dma_start3A_554 : memref<1x4x128xi32, #tpu.memory_space<hbm>> -> memref<4x128xi32, #tpu.memory_space<hbm>>
      %dma_start3A_556 = arith.constant 0 : i32
      %dma_start3A_557 = arith.constant 0 : i32
      %dma_start3A_558 = tpu.memref_slice %arg6[%run_scoped3A_7, %dma_start3A_556, %dma_start3A_557] : memref<6x4x128xi32, #tpu.memory_space<vmem>> -> memref<1x4x128xi32, #tpu.memory_space<vmem>>
      %dma_start3A_559 = tpu.memref_squeeze %dma_start3A_558 : memref<1x4x128xi32, #tpu.memory_space<vmem>> -> memref<4x128xi32, #tpu.memory_space<vmem>>
      %dma_start3A_560 = arith.constant 0 : i32
      %dma_start3A_561 = tpu.memref_slice %arg4[%run_scoped3A_6, %mul3A_2, %dma_start3A_560] : memref<6x128x128xi32, #tpu.memory_space<hbm>> -> memref<1x4x128xi32, #tpu.memory_space<hbm>>
      %dma_start3A_562 = tpu.memref_squeeze %dma_start3A_561 : memref<1x4x128xi32, #tpu.memory_space<hbm>> -> memref<4x128xi32, #tpu.memory_space<hbm>>
      tpu.enqueue_dma source(%dma_start3A_562 : memref<4x128xi32, #tpu.memory_space<hbm>>) target(%dma_start3A_559 : memref<4x128xi32, #tpu.memory_space<vmem>>) target_semaphore(%run_scoped3A_548 : memref<!tpu.dma_semaphore, #tpu.memory_space<semaphore_mem>>)
      %dma_wait3A_563 = arith.constant 0 : i32
      %dma_wait3A_564 = arith.constant 0 : i32
      %dma_wait3A_565 = tpu.memref_slice %arg6[%run_scoped3A_7, %dma_wait3A_563, %dma_wait3A_564] : memref<6x4x128xi32, #tpu.memory_space<vmem>> -> memref<1x4x128xi32, #tpu.memory_space<vmem>>
      %dma_wait3A_566 = tpu.memref_squeeze %dma_wait3A_565 : memref<1x4x128xi32, #tpu.memory_space<vmem>> -> memref<4x128xi32, #tpu.memory_space<vmem>>
      %dma_wait3A_567 = arith.constant 0 : i32
      %dma_wait3A_568 = tpu.memref_slice %arg4[%run_scoped3A_6, %mul3A_2, %dma_wait3A_567] : memref<6x128x128xi32, #tpu.memory_space<hbm>> -> memref<1x4x128xi32, #tpu.memory_space<hbm>>
      %dma_wait3A_569 = tpu.memref_squeeze %dma_wait3A_568 : memref<1x4x128xi32, #tpu.memory_space<hbm>> -> memref<4x128xi32, #tpu.memory_space<hbm>>
      %dma_wait3A_570 = arith.constant 0 : i32
      %dma_wait3A_571 = arith.constant 0 : i32
      %dma_wait3A_572 = tpu.memref_slice %arg6[%run_scoped3A_7, %dma_wait3A_570, %dma_wait3A_571] : memref<6x4x128xi32, #tpu.memory_space<vmem>> -> memref<1x4x128xi32, #tpu.memory_space<vmem>>
      %dma_wait3A_573 = tpu.memref_squeeze %dma_wait3A_572 : memref<1x4x128xi32, #tpu.memory_space<vmem>> -> memref<4x128xi32, #tpu.memory_space<vmem>>
      %dma_wait3A_574 = arith.constant 0 : i32
      %dma_wait3A_575 = tpu.memref_slice %arg4[%run_scoped3A_6, %mul3A_2, %dma_wait3A_574] : memref<6x128x128xi32, #tpu.memory_space<hbm>> -> memref<1x4x128xi32, #tpu.memory_space<hbm>>
      %dma_wait3A_576 = tpu.memref_squeeze %dma_wait3A_575 : memref<1x4x128xi32, #tpu.memory_space<hbm>> -> memref<4x128xi32, #tpu.memory_space<hbm>>
      tpu.wait_dma2 semaphore(%run_scoped3A_548 : memref<!tpu.dma_semaphore, #tpu.memory_space<semaphore_mem>>) src(%dma_wait3A_576 : memref<4x128xi32, #tpu.memory_space<hbm>>) dst(%dma_wait3A_573 : memref<4x128xi32, #tpu.memory_space<vmem>>)
      tpu.yield
    }) : () -> ()
    %run_scoped3A_8 = arith.constant 3 : i32
    %run_scoped3A_9 = arith.constant 3 : i32
    "tpu.region"() ({
      %run_scoped3A_548 = tpu.sem_alloc : memref<!tpu.dma_semaphore, #tpu.memory_space<semaphore_mem>>
      %dma_start3A_549 = arith.constant 0 : i32
      %dma_start3A_550 = arith.constant 0 : i32
      %dma_start3A_551 = tpu.memref_slice %arg6[%run_scoped3A_9, %dma_start3A_549, %dma_start3A_550] : memref<6x4x128xi32, #tpu.memory_space<vmem>> -> memref<1x4x128xi32, #tpu.memory_space<vmem>>
      %dma_start3A_552 = tpu.memref_squeeze %dma_start3A_551 : memref<1x4x128xi32, #tpu.memory_space<vmem>> -> memref<4x128xi32, #tpu.memory_space<vmem>>
      %dma_start3A_553 = arith.constant 0 : i32
      %dma_start3A_554 = tpu.memref_slice %arg4[%run_scoped3A_8, %mul3A_2, %dma_start3A_553] : memref<6x128x128xi32, #tpu.memory_space<hbm>> -> memref<1x4x128xi32, #tpu.memory_space<hbm>>
      %dma_start3A_555 = tpu.memref_squeeze %dma_start3A_554 : memref<1x4x128xi32, #tpu.memory_space<hbm>> -> memref<4x128xi32, #tpu.memory_space<hbm>>
      %dma_start3A_556 = arith.constant 0 : i32
      %dma_start3A_557 = arith.constant 0 : i32
      %dma_start3A_558 = tpu.memref_slice %arg6[%run_scoped3A_9, %dma_start3A_556, %dma_start3A_557] : memref<6x4x128xi32, #tpu.memory_space<vmem>> -> memref<1x4x128xi32, #tpu.memory_space<vmem>>
      %dma_start3A_559 = tpu.memref_squeeze %dma_start3A_558 : memref<1x4x128xi32, #tpu.memory_space<vmem>> -> memref<4x128xi32, #tpu.memory_space<vmem>>
      %dma_start3A_560 = arith.constant 0 : i32
      %dma_start3A_561 = tpu.memref_slice %arg4[%run_scoped3A_8, %mul3A_2, %dma_start3A_560] : memref<6x128x128xi32, #tpu.memory_space<hbm>> -> memref<1x4x128xi32, #tpu.memory_space<hbm>>
      %dma_start3A_562 = tpu.memref_squeeze %dma_start3A_561 : memref<1x4x128xi32, #tpu.memory_space<hbm>> -> memref<4x128xi32, #tpu.memory_space<hbm>>
      tpu.enqueue_dma source(%dma_start3A_562 : memref<4x128xi32, #tpu.memory_space<hbm>>) target(%dma_start3A_559 : memref<4x128xi32, #tpu.memory_space<vmem>>) target_semaphore(%run_scoped3A_548 : memref<!tpu.dma_semaphore, #tpu.memory_space<semaphore_mem>>)
      %dma_wait3A_563 = arith.constant 0 : i32
      %dma_wait3A_564 = arith.constant 0 : i32
      %dma_wait3A_565 = tpu.memref_slice %arg6[%run_scoped3A_9, %dma_wait3A_563, %dma_wait3A_564] : memref<6x4x128xi32, #tpu.memory_space<vmem>> -> memref<1x4x128xi32, #tpu.memory_space<vmem>>
      %dma_wait3A_566 = tpu.memref_squeeze %dma_wait3A_565 : memref<1x4x128xi32, #tpu.memory_space<vmem>> -> memref<4x128xi32, #tpu.memory_space<vmem>>
      %dma_wait3A_567 = arith.constant 0 : i32
      %dma_wait3A_568 = tpu.memref_slice %arg4[%run_scoped3A_8, %mul3A_2, %dma_wait3A_567] : memref<6x128x128xi32, #tpu.memory_space<hbm>> -> memref<1x4x128xi32, #tpu.memory_space<hbm>>
      %dma_wait3A_569 = tpu.memref_squeeze %dma_wait3A_568 : memref<1x4x128xi32, #tpu.memory_space<hbm>> -> memref<4x128xi32, #tpu.memory_space<hbm>>
      %dma_wait3A_570 = arith.constant 0 : i32
      %dma_wait3A_571 = arith.constant 0 : i32
      %dma_wait3A_572 = tpu.memref_slice %arg6[%run_scoped3A_9, %dma_wait3A_570, %dma_wait3A_571] : memref<6x4x128xi32, #tpu.memory_space<vmem>> -> memref<1x4x128xi32, #tpu.memory_space<vmem>>
      %dma_wait3A_573 = tpu.memref_squeeze %dma_wait3A_572 : memref<1x4x128xi32, #tpu.memory_space<vmem>> -> memref<4x128xi32, #tpu.memory_space<vmem>>
      %dma_wait3A_574 = arith.constant 0 : i32
      %dma_wait3A_575 = tpu.memref_slice %arg4[%run_scoped3A_8, %mul3A_2, %dma_wait3A_574] : memref<6x128x128xi32, #tpu.memory_space<hbm>> -> memref<1x4x128xi32, #tpu.memory_space<hbm>>
      %dma_wait3A_576 = tpu.memref_squeeze %dma_wait3A_575 : memref<1x4x128xi32, #tpu.memory_space<hbm>> -> memref<4x128xi32, #tpu.memory_space<hbm>>
      tpu.wait_dma2 semaphore(%run_scoped3A_548 : memref<!tpu.dma_semaphore, #tpu.memory_space<semaphore_mem>>) src(%dma_wait3A_576 : memref<4x128xi32, #tpu.memory_space<hbm>>) dst(%dma_wait3A_573 : memref<4x128xi32, #tpu.memory_space<vmem>>)
      tpu.yield
    }) : () -> ()
    %run_scoped3A_10 = arith.constant 4 : i32
    %run_scoped3A_11 = arith.constant 4 : i32
    "tpu.region"() ({
      %run_scoped3A_548 = tpu.sem_alloc : memref<!tpu.dma_semaphore, #tpu.memory_space<semaphore_mem>>
      %dma_start3A_549 = arith.constant 0 : i32
      %dma_start3A_550 = arith.constant 0 : i32
      %dma_start3A_551 = tpu.memref_slice %arg6[%run_scoped3A_11, %dma_start3A_549, %dma_start3A_550] : memref<6x4x128xi32, #tpu.memory_space<vmem>> -> memref<1x4x128xi32, #tpu.memory_space<vmem>>
      %dma_start3A_552 = tpu.memref_squeeze %dma_start3A_551 : memref<1x4x128xi32, #tpu.memory_space<vmem>> -> memref<4x128xi32, #tpu.memory_space<vmem>>
      %dma_start3A_553 = arith.constant 0 : i32
      %dma_start3A_554 = tpu.memref_slice %arg4[%run_scoped3A_10, %mul3A_2, %dma_start3A_553] : memref<6x128x128xi32, #tpu.memory_space<hbm>> -> memref<1x4x128xi32, #tpu.memory_space<hbm>>
      %dma_start3A_555 = tpu.memref_squeeze %dma_start3A_554 : memref<1x4x128xi32, #tpu.memory_space<hbm>> -> memref<4x128xi32, #tpu.memory_space<hbm>>
      %dma_start3A_556 = arith.constant 0 : i32
      %dma_start3A_557 = arith.constant 0 : i32
      %dma_start3A_558 = tpu.memref_slice %arg6[%run_scoped3A_11, %dma_start3A_556, %dma_start3A_557] : memref<6x4x128xi32, #tpu.memory_space<vmem>> -> memref<1x4x128xi32, #tpu.memory_space<vmem>>
      %dma_start3A_559 = tpu.memref_squeeze %dma_start3A_558 : memref<1x4x128xi32, #tpu.memory_space<vmem>> -> memref<4x128xi32, #tpu.memory_space<vmem>>
      %dma_start3A_560 = arith.constant 0 : i32
      %dma_start3A_561 = tpu.memref_slice %arg4[%run_scoped3A_10, %mul3A_2, %dma_start3A_560] : memref<6x128x128xi32, #tpu.memory_space<hbm>> -> memref<1x4x128xi32, #tpu.memory_space<hbm>>
      %dma_start3A_562 = tpu.memref_squeeze %dma_start3A_561 : memref<1x4x128xi32, #tpu.memory_space<hbm>> -> memref<4x128xi32, #tpu.memory_space<hbm>>
      tpu.enqueue_dma source(%dma_start3A_562 : memref<4x128xi32, #tpu.memory_space<hbm>>) target(%dma_start3A_559 : memref<4x128xi32, #tpu.memory_space<vmem>>) target_semaphore(%run_scoped3A_548 : memref<!tpu.dma_semaphore, #tpu.memory_space<semaphore_mem>>)
      %dma_wait3A_563 = arith.constant 0 : i32
      %dma_wait3A_564 = arith.constant 0 : i32
      %dma_wait3A_565 = tpu.memref_slice %arg6[%run_scoped3A_11, %dma_wait3A_563, %dma_wait3A_564] : memref<6x4x128xi32, #tpu.memory_space<vmem>> -> memref<1x4x128xi32, #tpu.memory_space<vmem>>
      %dma_wait3A_566 = tpu.memref_squeeze %dma_wait3A_565 : memref<1x4x128xi32, #tpu.memory_space<vmem>> -> memref<4x128xi32, #tpu.memory_space<vmem>>
      %dma_wait3A_567 = arith.constant 0 : i32
      %dma_wait3A_568 = tpu.memref_slice %arg4[%run_scoped3A_10, %mul3A_2, %dma_wait3A_567] : memref<6x128x128xi32, #tpu.memory_space<hbm>> -> memref<1x4x128xi32, #tpu.memory_space<hbm>>
      %dma_wait3A_569 = tpu.memref_squeeze %dma_wait3A_568 : memref<1x4x128xi32, #tpu.memory_space<hbm>> -> memref<4x128xi32, #tpu.memory_space<hbm>>
      %dma_wait3A_570 = arith.constant 0 : i32
      %dma_wait3A_571 = arith.constant 0 : i32
      %dma_wait3A_572 = tpu.memref_slice %arg6[%run_scoped3A_11, %dma_wait3A_570, %dma_wait3A_571] : memref<6x4x128xi32, #tpu.memory_space<vmem>> -> memref<1x4x128xi32, #tpu.memory_space<vmem>>
      %dma_wait3A_573 = tpu.memref_squeeze %dma_wait3A_572 : memref<1x4x128xi32, #tpu.memory_space<vmem>> -> memref<4x128xi32, #tpu.memory_space<vmem>>
      %dma_wait3A_574 = arith.constant 0 : i32
      %dma_wait3A_575 = tpu.memref_slice %arg4[%run_scoped3A_10, %mul3A_2, %dma_wait3A_574] : memref<6x128x128xi32, #tpu.memory_space<hbm>> -> memref<1x4x128xi32, #tpu.memory_space<hbm>>
      %dma_wait3A_576 = tpu.memref_squeeze %dma_wait3A_575 : memref<1x4x128xi32, #tpu.memory_space<hbm>> -> memref<4x128xi32, #tpu.memory_space<hbm>>
      tpu.wait_dma2 semaphore(%run_scoped3A_548 : memref<!tpu.dma_semaphore, #tpu.memory_space<semaphore_mem>>) src(%dma_wait3A_576 : memref<4x128xi32, #tpu.memory_space<hbm>>) dst(%dma_wait3A_573 : memref<4x128xi32, #tpu.memory_space<vmem>>)
      tpu.yield
    }) : () -> ()
    %run_scoped3A_12 = arith.constant 5 : i32
    %run_scoped3A_13 = arith.constant 5 : i32
    "tpu.region"() ({
      %run_scoped3A_548 = tpu.sem_alloc : memref<!tpu.dma_semaphore, #tpu.memory_space<semaphore_mem>>
      %dma_start3A_549 = arith.constant 0 : i32
      %dma_start3A_550 = arith.constant 0 : i32
      %dma_start3A_551 = tpu.memref_slice %arg6[%run_scoped3A_13, %dma_start3A_549, %dma_start3A_550] : memref<6x4x128xi32, #tpu.memory_space<vmem>> -> memref<1x4x128xi32, #tpu.memory_space<vmem>>
      %dma_start3A_552 = tpu.memref_squeeze %dma_start3A_551 : memref<1x4x128xi32, #tpu.memory_space<vmem>> -> memref<4x128xi32, #tpu.memory_space<vmem>>
      %dma_start3A_553 = arith.constant 0 : i32
      %dma_start3A_554 = tpu.memref_slice %arg4[%run_scoped3A_12, %mul3A_2, %dma_start3A_553] : memref<6x128x128xi32, #tpu.memory_space<hbm>> -> memref<1x4x128xi32, #tpu.memory_space<hbm>>
      %dma_start3A_555 = tpu.memref_squeeze %dma_start3A_554 : memref<1x4x128xi32, #tpu.memory_space<hbm>> -> memref<4x128xi32, #tpu.memory_space<hbm>>
      %dma_start3A_556 = arith.constant 0 : i32
      %dma_start3A_557 = arith.constant 0 : i32
      %dma_start3A_558 = tpu.memref_slice %arg6[%run_scoped3A_13, %dma_start3A_556, %dma_start3A_557] : memref<6x4x128xi32, #tpu.memory_space<vmem>> -> memref<1x4x128xi32, #tpu.memory_space<vmem>>
      %dma_start3A_559 = tpu.memref_squeeze %dma_start3A_558 : memref<1x4x128xi32, #tpu.memory_space<vmem>> -> memref<4x128xi32, #tpu.memory_space<vmem>>
      %dma_start3A_560 = arith.constant 0 : i32
      %dma_start3A_561 = tpu.memref_slice %arg4[%run_scoped3A_12, %mul3A_2, %dma_start3A_560] : memref<6x128x128xi32, #tpu.memory_space<hbm>> -> memref<1x4x128xi32, #tpu.memory_space<hbm>>
      %dma_start3A_562 = tpu.memref_squeeze %dma_start3A_561 : memref<1x4x128xi32, #tpu.memory_space<hbm>> -> memref<4x128xi32, #tpu.memory_space<hbm>>
      tpu.enqueue_dma source(%dma_start3A_562 : memref<4x128xi32, #tpu.memory_space<hbm>>) target(%dma_start3A_559 : memref<4x128xi32, #tpu.memory_space<vmem>>) target_semaphore(%run_scoped3A_548 : memref<!tpu.dma_semaphore, #tpu.memory_space<semaphore_mem>>)
      %dma_wait3A_563 = arith.constant 0 : i32
      %dma_wait3A_564 = arith.constant 0 : i32
      %dma_wait3A_565 = tpu.memref_slice %arg6[%run_scoped3A_13, %dma_wait3A_563, %dma_wait3A_564] : memref<6x4x128xi32, #tpu.memory_space<vmem>> -> memref<1x4x128xi32, #tpu.memory_space<vmem>>
      %dma_wait3A_566 = tpu.memref_squeeze %dma_wait3A_565 : memref<1x4x128xi32, #tpu.memory_space<vmem>> -> memref<4x128xi32, #tpu.memory_space<vmem>>
      %dma_wait3A_567 = arith.constant 0 : i32
      %dma_wait3A_568 = tpu.memref_slice %arg4[%run_scoped3A_12, %mul3A_2, %dma_wait3A_567] : memref<6x128x128xi32, #tpu.memory_space<hbm>> -> memref<1x4x128xi32, #tpu.memory_space<hbm>>
      %dma_wait3A_569 = tpu.memref_squeeze %dma_wait3A_568 : memref<1x4x128xi32, #tpu.memory_space<hbm>> -> memref<4x128xi32, #tpu.memory_space<hbm>>
      %dma_wait3A_570 = arith.constant 0 : i32
      %dma_wait3A_571 = arith.constant 0 : i32
      %dma_wait3A_572 = tpu.memref_slice %arg6[%run_scoped3A_13, %dma_wait3A_570, %dma_wait3A_571] : memref<6x4x128xi32, #tpu.memory_space<vmem>> -> memref<1x4x128xi32, #tpu.memory_space<vmem>>
      %dma_wait3A_573 = tpu.memref_squeeze %dma_wait3A_572 : memref<1x4x128xi32, #tpu.memory_space<vmem>> -> memref<4x128xi32, #tpu.memory_space<vmem>>
      %dma_wait3A_574 = arith.constant 0 : i32
      %dma_wait3A_575 = tpu.memref_slice %arg4[%run_scoped3A_12, %mul3A_2, %dma_wait3A_574] : memref<6x128x128xi32, #tpu.memory_space<hbm>> -> memref<1x4x128xi32, #tpu.memory_space<hbm>>
      %dma_wait3A_576 = tpu.memref_squeeze %dma_wait3A_575 : memref<1x4x128xi32, #tpu.memory_space<hbm>> -> memref<4x128xi32, #tpu.memory_space<hbm>>
      tpu.wait_dma2 semaphore(%run_scoped3A_548 : memref<!tpu.dma_semaphore, #tpu.memory_space<semaphore_mem>>) src(%dma_wait3A_576 : memref<4x128xi32, #tpu.memory_space<hbm>>) dst(%dma_wait3A_573 : memref<4x128xi32, #tpu.memory_space<vmem>>)
      tpu.yield
    }) : () -> ()
    %dma_start3A = arith.constant 0 : i32
    %dma_start3A_14 = arith.constant 0 : i32
    %dma_start3A_15 = arith.constant 0 : i32
    %dma_start3A_16 = arith.constant 0 : i32
    %dma_start3A_17 = tpu.memref_slice %arg7[%dma_start3A_15, %dma_start3A_16] : memref<3072x32xf32, #tpu.memory_space<vmem>> -> memref<128x32xf32, #tpu.memory_space<vmem>>
    %dma_start3A_18 = arith.constant 0 : i32
    %dma_start3A_19 = tpu.memref_slice %arg6[%dma_start3A, %dma_start3A_14, %dma_start3A_18] : memref<6x4x128xi32, #tpu.memory_space<vmem>> -> memref<1x1x128xi32, #tpu.memory_space<vmem>>
    %dma_start3A_20 = tpu.memref_squeeze %dma_start3A_19 : memref<1x1x128xi32, #tpu.memory_space<vmem>> -> memref<128xi32, #tpu.memory_space<vmem>>
    %dma_start3A_21 = arith.constant 0 : i32
    %dma_start3A_22 = arith.constant 0 : i32
    %dma_start3A_23 = tpu.memref_slice %arg2[%dma_start3A_21, %dma_start3A_22] : memref<1000001x32xf32, #tpu.memory_space<hbm>> -> memref<1000001x32xf32, #tpu.memory_space<hbm>>
    tpu.enqueue_indirect_dma source(%dma_start3A_23 : memref<1000001x32xf32, #tpu.memory_space<hbm>>) target(%dma_start3A_17 : memref<128x32xf32, #tpu.memory_space<vmem>>) offsets(%dma_start3A_20 : memref<128xi32, #tpu.memory_space<vmem>>) semaphore(%arg8 : memref<!tpu.dma_semaphore, #tpu.memory_space<semaphore_mem>>)
    %dma_start3A_24 = arith.constant 0 : i32
    %dma_start3A_25 = arith.constant 1 : i32
    %dma_start3A_26 = arith.constant 128 : i32
    %dma_start3A_27 = arith.constant 0 : i32
    %dma_start3A_28 = tpu.memref_slice %arg7[%dma_start3A_26, %dma_start3A_27] : memref<3072x32xf32, #tpu.memory_space<vmem>> -> memref<128x32xf32, #tpu.memory_space<vmem>>
    %dma_start3A_29 = arith.constant 0 : i32
    %dma_start3A_30 = tpu.memref_slice %arg6[%dma_start3A_24, %dma_start3A_25, %dma_start3A_29] : memref<6x4x128xi32, #tpu.memory_space<vmem>> -> memref<1x1x128xi32, #tpu.memory_space<vmem>>
    %dma_start3A_31 = tpu.memref_squeeze %dma_start3A_30 : memref<1x1x128xi32, #tpu.memory_space<vmem>> -> memref<128xi32, #tpu.memory_space<vmem>>
    %dma_start3A_32 = arith.constant 0 : i32
    %dma_start3A_33 = arith.constant 0 : i32
    %dma_start3A_34 = tpu.memref_slice %arg2[%dma_start3A_32, %dma_start3A_33] : memref<1000001x32xf32, #tpu.memory_space<hbm>> -> memref<1000001x32xf32, #tpu.memory_space<hbm>>
    tpu.enqueue_indirect_dma source(%dma_start3A_34 : memref<1000001x32xf32, #tpu.memory_space<hbm>>) target(%dma_start3A_28 : memref<128x32xf32, #tpu.memory_space<vmem>>) offsets(%dma_start3A_31 : memref<128xi32, #tpu.memory_space<vmem>>) semaphore(%arg8 : memref<!tpu.dma_semaphore, #tpu.memory_space<semaphore_mem>>)
    %dma_start3A_35 = arith.constant 0 : i32
    %dma_start3A_36 = arith.constant 2 : i32
    %dma_start3A_37 = arith.constant 256 : i32
    %dma_start3A_38 = arith.constant 0 : i32
    %dma_start3A_39 = tpu.memref_slice %arg7[%dma_start3A_37, %dma_start3A_38] : memref<3072x32xf32, #tpu.memory_space<vmem>> -> memref<128x32xf32, #tpu.memory_space<vmem>>
    %dma_start3A_40 = arith.constant 0 : i32
    %dma_start3A_41 = tpu.memref_slice %arg6[%dma_start3A_35, %dma_start3A_36, %dma_start3A_40] : memref<6x4x128xi32, #tpu.memory_space<vmem>> -> memref<1x1x128xi32, #tpu.memory_space<vmem>>
    %dma_start3A_42 = tpu.memref_squeeze %dma_start3A_41 : memref<1x1x128xi32, #tpu.memory_space<vmem>> -> memref<128xi32, #tpu.memory_space<vmem>>
    %dma_start3A_43 = arith.constant 0 : i32
    %dma_start3A_44 = arith.constant 0 : i32
    %dma_start3A_45 = tpu.memref_slice %arg2[%dma_start3A_43, %dma_start3A_44] : memref<1000001x32xf32, #tpu.memory_space<hbm>> -> memref<1000001x32xf32, #tpu.memory_space<hbm>>
    tpu.enqueue_indirect_dma source(%dma_start3A_45 : memref<1000001x32xf32, #tpu.memory_space<hbm>>) target(%dma_start3A_39 : memref<128x32xf32, #tpu.memory_space<vmem>>) offsets(%dma_start3A_42 : memref<128xi32, #tpu.memory_space<vmem>>) semaphore(%arg8 : memref<!tpu.dma_semaphore, #tpu.memory_space<semaphore_mem>>)
    %dma_start3A_46 = arith.constant 0 : i32
    %dma_start3A_47 = arith.constant 3 : i32
    %dma_start3A_48 = arith.constant 384 : i32
    %dma_start3A_49 = arith.constant 0 : i32
    %dma_start3A_50 = tpu.memref_slice %arg7[%dma_start3A_48, %dma_start3A_49] : memref<3072x32xf32, #tpu.memory_space<vmem>> -> memref<128x32xf32, #tpu.memory_space<vmem>>
    %dma_start3A_51 = arith.constant 0 : i32
    %dma_start3A_52 = tpu.memref_slice %arg6[%dma_start3A_46, %dma_start3A_47, %dma_start3A_51] : memref<6x4x128xi32, #tpu.memory_space<vmem>> -> memref<1x1x128xi32, #tpu.memory_space<vmem>>
    %dma_start3A_53 = tpu.memref_squeeze %dma_start3A_52 : memref<1x1x128xi32, #tpu.memory_space<vmem>> -> memref<128xi32, #tpu.memory_space<vmem>>
    %dma_start3A_54 = arith.constant 0 : i32
    %dma_start3A_55 = arith.constant 0 : i32
    %dma_start3A_56 = tpu.memref_slice %arg2[%dma_start3A_54, %dma_start3A_55] : memref<1000001x32xf32, #tpu.memory_space<hbm>> -> memref<1000001x32xf32, #tpu.memory_space<hbm>>
    tpu.enqueue_indirect_dma source(%dma_start3A_56 : memref<1000001x32xf32, #tpu.memory_space<hbm>>) target(%dma_start3A_50 : memref<128x32xf32, #tpu.memory_space<vmem>>) offsets(%dma_start3A_53 : memref<128xi32, #tpu.memory_space<vmem>>) semaphore(%arg8 : memref<!tpu.dma_semaphore, #tpu.memory_space<semaphore_mem>>)
    %dma_start3A_57 = arith.constant 1 : i32
    %dma_start3A_58 = arith.constant 0 : i32
    %dma_start3A_59 = arith.constant 512 : i32
    %dma_start3A_60 = arith.constant 0 : i32
    %dma_start3A_61 = tpu.memref_slice %arg7[%dma_start3A_59, %dma_start3A_60] : memref<3072x32xf32, #tpu.memory_space<vmem>> -> memref<128x32xf32, #tpu.memory_space<vmem>>
    %dma_start3A_62 = arith.constant 0 : i32
    %dma_start3A_63 = tpu.memref_slice %arg6[%dma_start3A_57, %dma_start3A_58, %dma_start3A_62] : memref<6x4x128xi32, #tpu.memory_space<vmem>> -> memref<1x1x128xi32, #tpu.memory_space<vmem>>
    %dma_start3A_64 = tpu.memref_squeeze %dma_start3A_63 : memref<1x1x128xi32, #tpu.memory_space<vmem>> -> memref<128xi32, #tpu.memory_space<vmem>>
    %dma_start3A_65 = arith.constant 0 : i32
    %dma_start3A_66 = arith.constant 0 : i32
    %dma_start3A_67 = tpu.memref_slice %arg3[%dma_start3A_65, %dma_start3A_66] : memref<1000001x32xf32, #tpu.memory_space<hbm>> -> memref<1000001x32xf32, #tpu.memory_space<hbm>>
    tpu.enqueue_indirect_dma source(%dma_start3A_67 : memref<1000001x32xf32, #tpu.memory_space<hbm>>) target(%dma_start3A_61 : memref<128x32xf32, #tpu.memory_space<vmem>>) offsets(%dma_start3A_64 : memref<128xi32, #tpu.memory_space<vmem>>) semaphore(%arg8 : memref<!tpu.dma_semaphore, #tpu.memory_space<semaphore_mem>>)
    %dma_start3A_68 = arith.constant 1 : i32
    %dma_start3A_69 = arith.constant 1 : i32
    %dma_start3A_70 = arith.constant 640 : i32
    %dma_start3A_71 = arith.constant 0 : i32
    %dma_start3A_72 = tpu.memref_slice %arg7[%dma_start3A_70, %dma_start3A_71] : memref<3072x32xf32, #tpu.memory_space<vmem>> -> memref<128x32xf32, #tpu.memory_space<vmem>>
    %dma_start3A_73 = arith.constant 0 : i32
    %dma_start3A_74 = tpu.memref_slice %arg6[%dma_start3A_68, %dma_start3A_69, %dma_start3A_73] : memref<6x4x128xi32, #tpu.memory_space<vmem>> -> memref<1x1x128xi32, #tpu.memory_space<vmem>>
    %dma_start3A_75 = tpu.memref_squeeze %dma_start3A_74 : memref<1x1x128xi32, #tpu.memory_space<vmem>> -> memref<128xi32, #tpu.memory_space<vmem>>
    %dma_start3A_76 = arith.constant 0 : i32
    %dma_start3A_77 = arith.constant 0 : i32
    %dma_start3A_78 = tpu.memref_slice %arg3[%dma_start3A_76, %dma_start3A_77] : memref<1000001x32xf32, #tpu.memory_space<hbm>> -> memref<1000001x32xf32, #tpu.memory_space<hbm>>
    tpu.enqueue_indirect_dma source(%dma_start3A_78 : memref<1000001x32xf32, #tpu.memory_space<hbm>>) target(%dma_start3A_72 : memref<128x32xf32, #tpu.memory_space<vmem>>) offsets(%dma_start3A_75 : memref<128xi32, #tpu.memory_space<vmem>>) semaphore(%arg8 : memref<!tpu.dma_semaphore, #tpu.memory_space<semaphore_mem>>)
    %dma_start3A_79 = arith.constant 1 : i32
    %dma_start3A_80 = arith.constant 2 : i32
    %dma_start3A_81 = arith.constant 768 : i32
    %dma_start3A_82 = arith.constant 0 : i32
    %dma_start3A_83 = tpu.memref_slice %arg7[%dma_start3A_81, %dma_start3A_82] : memref<3072x32xf32, #tpu.memory_space<vmem>> -> memref<128x32xf32, #tpu.memory_space<vmem>>
    %dma_start3A_84 = arith.constant 0 : i32
    %dma_start3A_85 = tpu.memref_slice %arg6[%dma_start3A_79, %dma_start3A_80, %dma_start3A_84] : memref<6x4x128xi32, #tpu.memory_space<vmem>> -> memref<1x1x128xi32, #tpu.memory_space<vmem>>
    %dma_start3A_86 = tpu.memref_squeeze %dma_start3A_85 : memref<1x1x128xi32, #tpu.memory_space<vmem>> -> memref<128xi32, #tpu.memory_space<vmem>>
    %dma_start3A_87 = arith.constant 0 : i32
    %dma_start3A_88 = arith.constant 0 : i32
    %dma_start3A_89 = tpu.memref_slice %arg3[%dma_start3A_87, %dma_start3A_88] : memref<1000001x32xf32, #tpu.memory_space<hbm>> -> memref<1000001x32xf32, #tpu.memory_space<hbm>>
    tpu.enqueue_indirect_dma source(%dma_start3A_89 : memref<1000001x32xf32, #tpu.memory_space<hbm>>) target(%dma_start3A_83 : memref<128x32xf32, #tpu.memory_space<vmem>>) offsets(%dma_start3A_86 : memref<128xi32, #tpu.memory_space<vmem>>) semaphore(%arg8 : memref<!tpu.dma_semaphore, #tpu.memory_space<semaphore_mem>>)
    %dma_start3A_90 = arith.constant 1 : i32
    %dma_start3A_91 = arith.constant 3 : i32
    %dma_start3A_92 = arith.constant 896 : i32
    %dma_start3A_93 = arith.constant 0 : i32
    %dma_start3A_94 = tpu.memref_slice %arg7[%dma_start3A_92, %dma_start3A_93] : memref<3072x32xf32, #tpu.memory_space<vmem>> -> memref<128x32xf32, #tpu.memory_space<vmem>>
    %dma_start3A_95 = arith.constant 0 : i32
    %dma_start3A_96 = tpu.memref_slice %arg6[%dma_start3A_90, %dma_start3A_91, %dma_start3A_95] : memref<6x4x128xi32, #tpu.memory_space<vmem>> -> memref<1x1x128xi32, #tpu.memory_space<vmem>>
    %dma_start3A_97 = tpu.memref_squeeze %dma_start3A_96 : memref<1x1x128xi32, #tpu.memory_space<vmem>> -> memref<128xi32, #tpu.memory_space<vmem>>
    %dma_start3A_98 = arith.constant 0 : i32
    %dma_start3A_99 = arith.constant 0 : i32
    %dma_start3A_100 = tpu.memref_slice %arg3[%dma_start3A_98, %dma_start3A_99] : memref<1000001x32xf32, #tpu.memory_space<hbm>> -> memref<1000001x32xf32, #tpu.memory_space<hbm>>
    tpu.enqueue_indirect_dma source(%dma_start3A_100 : memref<1000001x32xf32, #tpu.memory_space<hbm>>) target(%dma_start3A_94 : memref<128x32xf32, #tpu.memory_space<vmem>>) offsets(%dma_start3A_97 : memref<128xi32, #tpu.memory_space<vmem>>) semaphore(%arg8 : memref<!tpu.dma_semaphore, #tpu.memory_space<semaphore_mem>>)
    %dma_start3A_101 = arith.constant 2 : i32
    %dma_start3A_102 = arith.constant 0 : i32
    %dma_start3A_103 = arith.constant 1024 : i32
    %dma_start3A_104 = arith.constant 0 : i32
    %dma_start3A_105 = tpu.memref_slice %arg7[%dma_start3A_103, %dma_start3A_104] : memref<3072x32xf32, #tpu.memory_space<vmem>> -> memref<128x32xf32, #tpu.memory_space<vmem>>
    %dma_start3A_106 = arith.constant 0 : i32
    %dma_start3A_107 = tpu.memref_slice %arg6[%dma_start3A_101, %dma_start3A_102, %dma_start3A_106] : memref<6x4x128xi32, #tpu.memory_space<vmem>> -> memref<1x1x128xi32, #tpu.memory_space<vmem>>
    %dma_start3A_108 = tpu.memref_squeeze %dma_start3A_107 : memref<1x1x128xi32, #tpu.memory_space<vmem>> -> memref<128xi32, #tpu.memory_space<vmem>>
    %dma_start3A_109 = arith.constant 0 : i32
    %dma_start3A_110 = arith.constant 0 : i32
    %dma_start3A_111 = tpu.memref_slice %arg2[%dma_start3A_109, %dma_start3A_110] : memref<1000001x32xf32, #tpu.memory_space<hbm>> -> memref<1000001x32xf32, #tpu.memory_space<hbm>>
    tpu.enqueue_indirect_dma source(%dma_start3A_111 : memref<1000001x32xf32, #tpu.memory_space<hbm>>) target(%dma_start3A_105 : memref<128x32xf32, #tpu.memory_space<vmem>>) offsets(%dma_start3A_108 : memref<128xi32, #tpu.memory_space<vmem>>) semaphore(%arg8 : memref<!tpu.dma_semaphore, #tpu.memory_space<semaphore_mem>>)
    %dma_start3A_112 = arith.constant 2 : i32
    %dma_start3A_113 = arith.constant 1 : i32
    %dma_start3A_114 = arith.constant 1152 : i32
    %dma_start3A_115 = arith.constant 0 : i32
    %dma_start3A_116 = tpu.memref_slice %arg7[%dma_start3A_114, %dma_start3A_115] : memref<3072x32xf32, #tpu.memory_space<vmem>> -> memref<128x32xf32, #tpu.memory_space<vmem>>
    %dma_start3A_117 = arith.constant 0 : i32
    %dma_start3A_118 = tpu.memref_slice %arg6[%dma_start3A_112, %dma_start3A_113, %dma_start3A_117] : memref<6x4x128xi32, #tpu.memory_space<vmem>> -> memref<1x1x128xi32, #tpu.memory_space<vmem>>
    %dma_start3A_119 = tpu.memref_squeeze %dma_start3A_118 : memref<1x1x128xi32, #tpu.memory_space<vmem>> -> memref<128xi32, #tpu.memory_space<vmem>>
    %dma_start3A_120 = arith.constant 0 : i32
    %dma_start3A_121 = arith.constant 0 : i32
    %dma_start3A_122 = tpu.memref_slice %arg2[%dma_start3A_120, %dma_start3A_121] : memref<1000001x32xf32, #tpu.memory_space<hbm>> -> memref<1000001x32xf32, #tpu.memory_space<hbm>>
    tpu.enqueue_indirect_dma source(%dma_start3A_122 : memref<1000001x32xf32, #tpu.memory_space<hbm>>) target(%dma_start3A_116 : memref<128x32xf32, #tpu.memory_space<vmem>>) offsets(%dma_start3A_119 : memref<128xi32, #tpu.memory_space<vmem>>) semaphore(%arg8 : memref<!tpu.dma_semaphore, #tpu.memory_space<semaphore_mem>>)
    %dma_start3A_123 = arith.constant 2 : i32
    %dma_start3A_124 = arith.constant 2 : i32
    %dma_start3A_125 = arith.constant 1280 : i32
    %dma_start3A_126 = arith.constant 0 : i32
    %dma_start3A_127 = tpu.memref_slice %arg7[%dma_start3A_125, %dma_start3A_126] : memref<3072x32xf32, #tpu.memory_space<vmem>> -> memref<128x32xf32, #tpu.memory_space<vmem>>
    %dma_start3A_128 = arith.constant 0 : i32
    %dma_start3A_129 = tpu.memref_slice %arg6[%dma_start3A_123, %dma_start3A_124, %dma_start3A_128] : memref<6x4x128xi32, #tpu.memory_space<vmem>> -> memref<1x1x128xi32, #tpu.memory_space<vmem>>
    %dma_start3A_130 = tpu.memref_squeeze %dma_start3A_129 : memref<1x1x128xi32, #tpu.memory_space<vmem>> -> memref<128xi32, #tpu.memory_space<vmem>>
    %dma_start3A_131 = arith.constant 0 : i32
    %dma_start3A_132 = arith.constant 0 : i32
    %dma_start3A_133 = tpu.memref_slice %arg2[%dma_start3A_131, %dma_start3A_132] : memref<1000001x32xf32, #tpu.memory_space<hbm>> -> memref<1000001x32xf32, #tpu.memory_space<hbm>>
    tpu.enqueue_indirect_dma source(%dma_start3A_133 : memref<1000001x32xf32, #tpu.memory_space<hbm>>) target(%dma_start3A_127 : memref<128x32xf32, #tpu.memory_space<vmem>>) offsets(%dma_start3A_130 : memref<128xi32, #tpu.memory_space<vmem>>) semaphore(%arg8 : memref<!tpu.dma_semaphore, #tpu.memory_space<semaphore_mem>>)
    %dma_start3A_134 = arith.constant 2 : i32
    %dma_start3A_135 = arith.constant 3 : i32
    %dma_start3A_136 = arith.constant 1408 : i32
    %dma_start3A_137 = arith.constant 0 : i32
    %dma_start3A_138 = tpu.memref_slice %arg7[%dma_start3A_136, %dma_start3A_137] : memref<3072x32xf32, #tpu.memory_space<vmem>> -> memref<128x32xf32, #tpu.memory_space<vmem>>
    %dma_start3A_139 = arith.constant 0 : i32
    %dma_start3A_140 = tpu.memref_slice %arg6[%dma_start3A_134, %dma_start3A_135, %dma_start3A_139] : memref<6x4x128xi32, #tpu.memory_space<vmem>> -> memref<1x1x128xi32, #tpu.memory_space<vmem>>
    %dma_start3A_141 = tpu.memref_squeeze %dma_start3A_140 : memref<1x1x128xi32, #tpu.memory_space<vmem>> -> memref<128xi32, #tpu.memory_space<vmem>>
    %dma_start3A_142 = arith.constant 0 : i32
    %dma_start3A_143 = arith.constant 0 : i32
    %dma_start3A_144 = tpu.memref_slice %arg2[%dma_start3A_142, %dma_start3A_143] : memref<1000001x32xf32, #tpu.memory_space<hbm>> -> memref<1000001x32xf32, #tpu.memory_space<hbm>>
    tpu.enqueue_indirect_dma source(%dma_start3A_144 : memref<1000001x32xf32, #tpu.memory_space<hbm>>) target(%dma_start3A_138 : memref<128x32xf32, #tpu.memory_space<vmem>>) offsets(%dma_start3A_141 : memref<128xi32, #tpu.memory_space<vmem>>) semaphore(%arg8 : memref<!tpu.dma_semaphore, #tpu.memory_space<semaphore_mem>>)
    %dma_start3A_145 = arith.constant 3 : i32
    %dma_start3A_146 = arith.constant 0 : i32
    %dma_start3A_147 = arith.constant 1536 : i32
    %dma_start3A_148 = arith.constant 0 : i32
    %dma_start3A_149 = tpu.memref_slice %arg7[%dma_start3A_147, %dma_start3A_148] : memref<3072x32xf32, #tpu.memory_space<vmem>> -> memref<128x32xf32, #tpu.memory_space<vmem>>
    %dma_start3A_150 = arith.constant 0 : i32
    %dma_start3A_151 = tpu.memref_slice %arg6[%dma_start3A_145, %dma_start3A_146, %dma_start3A_150] : memref<6x4x128xi32, #tpu.memory_space<vmem>> -> memref<1x1x128xi32, #tpu.memory_space<vmem>>
    %dma_start3A_152 = tpu.memref_squeeze %dma_start3A_151 : memref<1x1x128xi32, #tpu.memory_space<vmem>> -> memref<128xi32, #tpu.memory_space<vmem>>
    %dma_start3A_153 = arith.constant 0 : i32
    %dma_start3A_154 = arith.constant 0 : i32
    %dma_start3A_155 = tpu.memref_slice %arg2[%dma_start3A_153, %dma_start3A_154] : memref<1000001x32xf32, #tpu.memory_space<hbm>> -> memref<1000001x32xf32, #tpu.memory_space<hbm>>
    tpu.enqueue_indirect_dma source(%dma_start3A_155 : memref<1000001x32xf32, #tpu.memory_space<hbm>>) target(%dma_start3A_149 : memref<128x32xf32, #tpu.memory_space<vmem>>) offsets(%dma_start3A_152 : memref<128xi32, #tpu.memory_space<vmem>>) semaphore(%arg8 : memref<!tpu.dma_semaphore, #tpu.memory_space<semaphore_mem>>)
    %dma_start3A_156 = arith.constant 3 : i32
    %dma_start3A_157 = arith.constant 1 : i32
    %dma_start3A_158 = arith.constant 1664 : i32
    %dma_start3A_159 = arith.constant 0 : i32
    %dma_start3A_160 = tpu.memref_slice %arg7[%dma_start3A_158, %dma_start3A_159] : memref<3072x32xf32, #tpu.memory_space<vmem>> -> memref<128x32xf32, #tpu.memory_space<vmem>>
    %dma_start3A_161 = arith.constant 0 : i32
    %dma_start3A_162 = tpu.memref_slice %arg6[%dma_start3A_156, %dma_start3A_157, %dma_start3A_161] : memref<6x4x128xi32, #tpu.memory_space<vmem>> -> memref<1x1x128xi32, #tpu.memory_space<vmem>>
    %dma_start3A_163 = tpu.memref_squeeze %dma_start3A_162 : memref<1x1x128xi32, #tpu.memory_space<vmem>> -> memref<128xi32, #tpu.memory_space<vmem>>
    %dma_start3A_164 = arith.constant 0 : i32
    %dma_start3A_165 = arith.constant 0 : i32
    %dma_start3A_166 = tpu.memref_slice %arg2[%dma_start3A_164, %dma_start3A_165] : memref<1000001x32xf32, #tpu.memory_space<hbm>> -> memref<1000001x32xf32, #tpu.memory_space<hbm>>
    tpu.enqueue_indirect_dma source(%dma_start3A_166 : memref<1000001x32xf32, #tpu.memory_space<hbm>>) target(%dma_start3A_160 : memref<128x32xf32, #tpu.memory_space<vmem>>) offsets(%dma_start3A_163 : memref<128xi32, #tpu.memory_space<vmem>>) semaphore(%arg8 : memref<!tpu.dma_semaphore, #tpu.memory_space<semaphore_mem>>)
    %dma_start3A_167 = arith.constant 3 : i32
    %dma_start3A_168 = arith.constant 2 : i32
    %dma_start3A_169 = arith.constant 1792 : i32
    %dma_start3A_170 = arith.constant 0 : i32
    %dma_start3A_171 = tpu.memref_slice %arg7[%dma_start3A_169, %dma_start3A_170] : memref<3072x32xf32, #tpu.memory_space<vmem>> -> memref<128x32xf32, #tpu.memory_space<vmem>>
    %dma_start3A_172 = arith.constant 0 : i32
    %dma_start3A_173 = tpu.memref_slice %arg6[%dma_start3A_167, %dma_start3A_168, %dma_start3A_172] : memref<6x4x128xi32, #tpu.memory_space<vmem>> -> memref<1x1x128xi32, #tpu.memory_space<vmem>>
    %dma_start3A_174 = tpu.memref_squeeze %dma_start3A_173 : memref<1x1x128xi32, #tpu.memory_space<vmem>> -> memref<128xi32, #tpu.memory_space<vmem>>
    %dma_start3A_175 = arith.constant 0 : i32
    %dma_start3A_176 = arith.constant 0 : i32
    %dma_start3A_177 = tpu.memref_slice %arg2[%dma_start3A_175, %dma_start3A_176] : memref<1000001x32xf32, #tpu.memory_space<hbm>> -> memref<1000001x32xf32, #tpu.memory_space<hbm>>
    tpu.enqueue_indirect_dma source(%dma_start3A_177 : memref<1000001x32xf32, #tpu.memory_space<hbm>>) target(%dma_start3A_171 : memref<128x32xf32, #tpu.memory_space<vmem>>) offsets(%dma_start3A_174 : memref<128xi32, #tpu.memory_space<vmem>>) semaphore(%arg8 : memref<!tpu.dma_semaphore, #tpu.memory_space<semaphore_mem>>)
    %dma_start3A_178 = arith.constant 3 : i32
    %dma_start3A_179 = arith.constant 3 : i32
    %dma_start3A_180 = arith.constant 1920 : i32
    %dma_start3A_181 = arith.constant 0 : i32
    %dma_start3A_182 = tpu.memref_slice %arg7[%dma_start3A_180, %dma_start3A_181] : memref<3072x32xf32, #tpu.memory_space<vmem>> -> memref<128x32xf32, #tpu.memory_space<vmem>>
    %dma_start3A_183 = arith.constant 0 : i32
    %dma_start3A_184 = tpu.memref_slice %arg6[%dma_start3A_178, %dma_start3A_179, %dma_start3A_183] : memref<6x4x128xi32, #tpu.memory_space<vmem>> -> memref<1x1x128xi32, #tpu.memory_space<vmem>>
    %dma_start3A_185 = tpu.memref_squeeze %dma_start3A_184 : memref<1x1x128xi32, #tpu.memory_space<vmem>> -> memref<128xi32, #tpu.memory_space<vmem>>
    %dma_start3A_186 = arith.constant 0 : i32
    %dma_start3A_187 = arith.constant 0 : i32
    %dma_start3A_188 = tpu.memref_slice %arg2[%dma_start3A_186, %dma_start3A_187] : memref<1000001x32xf32, #tpu.memory_space<hbm>> -> memref<1000001x32xf32, #tpu.memory_space<hbm>>
    tpu.enqueue_indirect_dma source(%dma_start3A_188 : memref<1000001x32xf32, #tpu.memory_space<hbm>>) target(%dma_start3A_182 : memref<128x32xf32, #tpu.memory_space<vmem>>) offsets(%dma_start3A_185 : memref<128xi32, #tpu.memory_space<vmem>>) semaphore(%arg8 : memref<!tpu.dma_semaphore, #tpu.memory_space<semaphore_mem>>)
    %dma_start3A_189 = arith.constant 4 : i32
    %dma_start3A_190 = arith.constant 0 : i32
    %dma_start3A_191 = arith.constant 2048 : i32
    %dma_start3A_192 = arith.constant 0 : i32
    %dma_start3A_193 = tpu.memref_slice %arg7[%dma_start3A_191, %dma_start3A_192] : memref<3072x32xf32, #tpu.memory_space<vmem>> -> memref<128x32xf32, #tpu.memory_space<vmem>>
    %dma_start3A_194 = arith.constant 0 : i32
    %dma_start3A_195 = tpu.memref_slice %arg6[%dma_start3A_189, %dma_start3A_190, %dma_start3A_194] : memref<6x4x128xi32, #tpu.memory_space<vmem>> -> memref<1x1x128xi32, #tpu.memory_space<vmem>>
    %dma_start3A_196 = tpu.memref_squeeze %dma_start3A_195 : memref<1x1x128xi32, #tpu.memory_space<vmem>> -> memref<128xi32, #tpu.memory_space<vmem>>
    %dma_start3A_197 = arith.constant 0 : i32
    %dma_start3A_198 = arith.constant 0 : i32
    %dma_start3A_199 = tpu.memref_slice %arg3[%dma_start3A_197, %dma_start3A_198] : memref<1000001x32xf32, #tpu.memory_space<hbm>> -> memref<1000001x32xf32, #tpu.memory_space<hbm>>
    tpu.enqueue_indirect_dma source(%dma_start3A_199 : memref<1000001x32xf32, #tpu.memory_space<hbm>>) target(%dma_start3A_193 : memref<128x32xf32, #tpu.memory_space<vmem>>) offsets(%dma_start3A_196 : memref<128xi32, #tpu.memory_space<vmem>>) semaphore(%arg8 : memref<!tpu.dma_semaphore, #tpu.memory_space<semaphore_mem>>)
    %dma_start3A_200 = arith.constant 4 : i32
    %dma_start3A_201 = arith.constant 1 : i32
    %dma_start3A_202 = arith.constant 2176 : i32
    %dma_start3A_203 = arith.constant 0 : i32
    %dma_start3A_204 = tpu.memref_slice %arg7[%dma_start3A_202, %dma_start3A_203] : memref<3072x32xf32, #tpu.memory_space<vmem>> -> memref<128x32xf32, #tpu.memory_space<vmem>>
    %dma_start3A_205 = arith.constant 0 : i32
    %dma_start3A_206 = tpu.memref_slice %arg6[%dma_start3A_200, %dma_start3A_201, %dma_start3A_205] : memref<6x4x128xi32, #tpu.memory_space<vmem>> -> memref<1x1x128xi32, #tpu.memory_space<vmem>>
    %dma_start3A_207 = tpu.memref_squeeze %dma_start3A_206 : memref<1x1x128xi32, #tpu.memory_space<vmem>> -> memref<128xi32, #tpu.memory_space<vmem>>
    %dma_start3A_208 = arith.constant 0 : i32
    %dma_start3A_209 = arith.constant 0 : i32
    %dma_start3A_210 = tpu.memref_slice %arg3[%dma_start3A_208, %dma_start3A_209] : memref<1000001x32xf32, #tpu.memory_space<hbm>> -> memref<1000001x32xf32, #tpu.memory_space<hbm>>
    tpu.enqueue_indirect_dma source(%dma_start3A_210 : memref<1000001x32xf32, #tpu.memory_space<hbm>>) target(%dma_start3A_204 : memref<128x32xf32, #tpu.memory_space<vmem>>) offsets(%dma_start3A_207 : memref<128xi32, #tpu.memory_space<vmem>>) semaphore(%arg8 : memref<!tpu.dma_semaphore, #tpu.memory_space<semaphore_mem>>)
    %dma_start3A_211 = arith.constant 4 : i32
    %dma_start3A_212 = arith.constant 2 : i32
    %dma_start3A_213 = arith.constant 2304 : i32
    %dma_start3A_214 = arith.constant 0 : i32
    %dma_start3A_215 = tpu.memref_slice %arg7[%dma_start3A_213, %dma_start3A_214] : memref<3072x32xf32, #tpu.memory_space<vmem>> -> memref<128x32xf32, #tpu.memory_space<vmem>>
    %dma_start3A_216 = arith.constant 0 : i32
    %dma_start3A_217 = tpu.memref_slice %arg6[%dma_start3A_211, %dma_start3A_212, %dma_start3A_216] : memref<6x4x128xi32, #tpu.memory_space<vmem>> -> memref<1x1x128xi32, #tpu.memory_space<vmem>>
    %dma_start3A_218 = tpu.memref_squeeze %dma_start3A_217 : memref<1x1x128xi32, #tpu.memory_space<vmem>> -> memref<128xi32, #tpu.memory_space<vmem>>
    %dma_start3A_219 = arith.constant 0 : i32
    %dma_start3A_220 = arith.constant 0 : i32
    %dma_start3A_221 = tpu.memref_slice %arg3[%dma_start3A_219, %dma_start3A_220] : memref<1000001x32xf32, #tpu.memory_space<hbm>> -> memref<1000001x32xf32, #tpu.memory_space<hbm>>
    tpu.enqueue_indirect_dma source(%dma_start3A_221 : memref<1000001x32xf32, #tpu.memory_space<hbm>>) target(%dma_start3A_215 : memref<128x32xf32, #tpu.memory_space<vmem>>) offsets(%dma_start3A_218 : memref<128xi32, #tpu.memory_space<vmem>>) semaphore(%arg8 : memref<!tpu.dma_semaphore, #tpu.memory_space<semaphore_mem>>)
    %dma_start3A_222 = arith.constant 4 : i32
    %dma_start3A_223 = arith.constant 3 : i32
    %dma_start3A_224 = arith.constant 2432 : i32
    %dma_start3A_225 = arith.constant 0 : i32
    %dma_start3A_226 = tpu.memref_slice %arg7[%dma_start3A_224, %dma_start3A_225] : memref<3072x32xf32, #tpu.memory_space<vmem>> -> memref<128x32xf32, #tpu.memory_space<vmem>>
    %dma_start3A_227 = arith.constant 0 : i32
    %dma_start3A_228 = tpu.memref_slice %arg6[%dma_start3A_222, %dma_start3A_223, %dma_start3A_227] : memref<6x4x128xi32, #tpu.memory_space<vmem>> -> memref<1x1x128xi32, #tpu.memory_space<vmem>>
    %dma_start3A_229 = tpu.memref_squeeze %dma_start3A_228 : memref<1x1x128xi32, #tpu.memory_space<vmem>> -> memref<128xi32, #tpu.memory_space<vmem>>
    %dma_start3A_230 = arith.constant 0 : i32
    %dma_start3A_231 = arith.constant 0 : i32
    %dma_start3A_232 = tpu.memref_slice %arg3[%dma_start3A_230, %dma_start3A_231] : memref<1000001x32xf32, #tpu.memory_space<hbm>> -> memref<1000001x32xf32, #tpu.memory_space<hbm>>
    tpu.enqueue_indirect_dma source(%dma_start3A_232 : memref<1000001x32xf32, #tpu.memory_space<hbm>>) target(%dma_start3A_226 : memref<128x32xf32, #tpu.memory_space<vmem>>) offsets(%dma_start3A_229 : memref<128xi32, #tpu.memory_space<vmem>>) semaphore(%arg8 : memref<!tpu.dma_semaphore, #tpu.memory_space<semaphore_mem>>)
    %dma_start3A_233 = arith.constant 5 : i32
    %dma_start3A_234 = arith.constant 0 : i32
    %dma_start3A_235 = arith.constant 2560 : i32
    %dma_start3A_236 = arith.constant 0 : i32
    %dma_start3A_237 = tpu.memref_slice %arg7[%dma_start3A_235, %dma_start3A_236] : memref<3072x32xf32, #tpu.memory_space<vmem>> -> memref<128x32xf32, #tpu.memory_space<vmem>>
    %dma_start3A_238 = arith.constant 0 : i32
    %dma_start3A_239 = tpu.memref_slice %arg6[%dma_start3A_233, %dma_start3A_234, %dma_start3A_238] : memref<6x4x128xi32, #tpu.memory_space<vmem>> -> memref<1x1x128xi32, #tpu.memory_space<vmem>>
    %dma_start3A_240 = tpu.memref_squeeze %dma_start3A_239 : memref<1x1x128xi32, #tpu.memory_space<vmem>> -> memref<128xi32, #tpu.memory_space<vmem>>
    %dma_start3A_241 = arith.constant 0 : i32
    %dma_start3A_242 = arith.constant 0 : i32
    %dma_start3A_243 = tpu.memref_slice %arg2[%dma_start3A_241, %dma_start3A_242] : memref<1000001x32xf32, #tpu.memory_space<hbm>> -> memref<1000001x32xf32, #tpu.memory_space<hbm>>
    tpu.enqueue_indirect_dma source(%dma_start3A_243 : memref<1000001x32xf32, #tpu.memory_space<hbm>>) target(%dma_start3A_237 : memref<128x32xf32, #tpu.memory_space<vmem>>) offsets(%dma_start3A_240 : memref<128xi32, #tpu.memory_space<vmem>>) semaphore(%arg8 : memref<!tpu.dma_semaphore, #tpu.memory_space<semaphore_mem>>)
    %dma_start3A_244 = arith.constant 5 : i32
    %dma_start3A_245 = arith.constant 1 : i32
    %dma_start3A_246 = arith.constant 2688 : i32
    %dma_start3A_247 = arith.constant 0 : i32
    %dma_start3A_248 = tpu.memref_slice %arg7[%dma_start3A_246, %dma_start3A_247] : memref<3072x32xf32, #tpu.memory_space<vmem>> -> memref<128x32xf32, #tpu.memory_space<vmem>>
    %dma_start3A_249 = arith.constant 0 : i32
    %dma_start3A_250 = tpu.memref_slice %arg6[%dma_start3A_244, %dma_start3A_245, %dma_start3A_249] : memref<6x4x128xi32, #tpu.memory_space<vmem>> -> memref<1x1x128xi32, #tpu.memory_space<vmem>>
    %dma_start3A_251 = tpu.memref_squeeze %dma_start3A_250 : memref<1x1x128xi32, #tpu.memory_space<vmem>> -> memref<128xi32, #tpu.memory_space<vmem>>
    %dma_start3A_252 = arith.constant 0 : i32
    %dma_start3A_253 = arith.constant 0 : i32
    %dma_start3A_254 = tpu.memref_slice %arg2[%dma_start3A_252, %dma_start3A_253] : memref<1000001x32xf32, #tpu.memory_space<hbm>> -> memref<1000001x32xf32, #tpu.memory_space<hbm>>
    tpu.enqueue_indirect_dma source(%dma_start3A_254 : memref<1000001x32xf32, #tpu.memory_space<hbm>>) target(%dma_start3A_248 : memref<128x32xf32, #tpu.memory_space<vmem>>) offsets(%dma_start3A_251 : memref<128xi32, #tpu.memory_space<vmem>>) semaphore(%arg8 : memref<!tpu.dma_semaphore, #tpu.memory_space<semaphore_mem>>)
    %dma_start3A_255 = arith.constant 5 : i32
    %dma_start3A_256 = arith.constant 2 : i32
    %dma_start3A_257 = arith.constant 2816 : i32
    %dma_start3A_258 = arith.constant 0 : i32
    %dma_start3A_259 = tpu.memref_slice %arg7[%dma_start3A_257, %dma_start3A_258] : memref<3072x32xf32, #tpu.memory_space<vmem>> -> memref<128x32xf32, #tpu.memory_space<vmem>>
    %dma_start3A_260 = arith.constant 0 : i32
    %dma_start3A_261 = tpu.memref_slice %arg6[%dma_start3A_255, %dma_start3A_256, %dma_start3A_260] : memref<6x4x128xi32, #tpu.memory_space<vmem>> -> memref<1x1x128xi32, #tpu.memory_space<vmem>>
    %dma_start3A_262 = tpu.memref_squeeze %dma_start3A_261 : memref<1x1x128xi32, #tpu.memory_space<vmem>> -> memref<128xi32, #tpu.memory_space<vmem>>
    %dma_start3A_263 = arith.constant 0 : i32
    %dma_start3A_264 = arith.constant 0 : i32
    %dma_start3A_265 = tpu.memref_slice %arg2[%dma_start3A_263, %dma_start3A_264] : memref<1000001x32xf32, #tpu.memory_space<hbm>> -> memref<1000001x32xf32, #tpu.memory_space<hbm>>
    tpu.enqueue_indirect_dma source(%dma_start3A_265 : memref<1000001x32xf32, #tpu.memory_space<hbm>>) target(%dma_start3A_259 : memref<128x32xf32, #tpu.memory_space<vmem>>) offsets(%dma_start3A_262 : memref<128xi32, #tpu.memory_space<vmem>>) semaphore(%arg8 : memref<!tpu.dma_semaphore, #tpu.memory_space<semaphore_mem>>)
    %dma_start3A_266 = arith.constant 5 : i32
    %dma_start3A_267 = arith.constant 3 : i32
    %dma_start3A_268 = arith.constant 2944 : i32
    %dma_start3A_269 = arith.constant 0 : i32
    %dma_start3A_270 = tpu.memref_slice %arg7[%dma_start3A_268, %dma_start3A_269] : memref<3072x32xf32, #tpu.memory_space<vmem>> -> memref<128x32xf32, #tpu.memory_space<vmem>>
    %dma_start3A_271 = arith.constant 0 : i32
    %dma_start3A_272 = tpu.memref_slice %arg6[%dma_start3A_266, %dma_start3A_267, %dma_start3A_271] : memref<6x4x128xi32, #tpu.memory_space<vmem>> -> memref<1x1x128xi32, #tpu.memory_space<vmem>>
    %dma_start3A_273 = tpu.memref_squeeze %dma_start3A_272 : memref<1x1x128xi32, #tpu.memory_space<vmem>> -> memref<128xi32, #tpu.memory_space<vmem>>
    %dma_start3A_274 = arith.constant 0 : i32
    %dma_start3A_275 = arith.constant 0 : i32
    %dma_start3A_276 = tpu.memref_slice %arg2[%dma_start3A_274, %dma_start3A_275] : memref<1000001x32xf32, #tpu.memory_space<hbm>> -> memref<1000001x32xf32, #tpu.memory_space<hbm>>
    tpu.enqueue_indirect_dma source(%dma_start3A_276 : memref<1000001x32xf32, #tpu.memory_space<hbm>>) target(%dma_start3A_270 : memref<128x32xf32, #tpu.memory_space<vmem>>) offsets(%dma_start3A_273 : memref<128xi32, #tpu.memory_space<vmem>>) semaphore(%arg8 : memref<!tpu.dma_semaphore, #tpu.memory_space<semaphore_mem>>)
    %dma_wait3A = arith.constant 0 : i32
    %dma_wait3A_277 = arith.constant 0 : i32
    %dma_wait3A_278 = arith.constant 0 : i32
    %dma_wait3A_279 = arith.constant 0 : i32
    %dma_wait3A_280 = tpu.memref_slice %arg7[%dma_wait3A_278, %dma_wait3A_279] : memref<3072x32xf32, #tpu.memory_space<vmem>> -> memref<128x32xf32, #tpu.memory_space<vmem>>
    %dma_wait3A_281 = arith.constant 0 : i32
    %dma_wait3A_282 = tpu.memref_slice %arg6[%dma_wait3A, %dma_wait3A_277, %dma_wait3A_281] : memref<6x4x128xi32, #tpu.memory_space<vmem>> -> memref<1x1x128xi32, #tpu.memory_space<vmem>>
    %dma_wait3A_283 = tpu.memref_squeeze %dma_wait3A_282 : memref<1x1x128xi32, #tpu.memory_space<vmem>> -> memref<128xi32, #tpu.memory_space<vmem>>
    %dma_wait3A_284 = arith.constant 0 : i32
    %dma_wait3A_285 = arith.constant 0 : i32
    %dma_wait3A_286 = tpu.memref_slice %arg2[%dma_wait3A_284, %dma_wait3A_285] : memref<1000001x32xf32, #tpu.memory_space<hbm>> -> memref<1000001x32xf32, #tpu.memory_space<hbm>>
    tpu.wait_indirect_dma semaphore(%arg8 : memref<!tpu.dma_semaphore, #tpu.memory_space<semaphore_mem>>) src(%dma_wait3A_286 : memref<1000001x32xf32, #tpu.memory_space<hbm>>) dst(%dma_wait3A_280 : memref<128x32xf32, #tpu.memory_space<vmem>>)
    %dma_wait3A_287 = arith.constant 0 : i32
    %dma_wait3A_288 = arith.constant 1 : i32
    %dma_wait3A_289 = arith.constant 128 : i32
    %dma_wait3A_290 = arith.constant 0 : i32
    %dma_wait3A_291 = tpu.memref_slice %arg7[%dma_wait3A_289, %dma_wait3A_290] : memref<3072x32xf32, #tpu.memory_space<vmem>> -> memref<128x32xf32, #tpu.memory_space<vmem>>
    %dma_wait3A_292 = arith.constant 0 : i32
    %dma_wait3A_293 = tpu.memref_slice %arg6[%dma_wait3A_287, %dma_wait3A_288, %dma_wait3A_292] : memref<6x4x128xi32, #tpu.memory_space<vmem>> -> memref<1x1x128xi32, #tpu.memory_space<vmem>>
    %dma_wait3A_294 = tpu.memref_squeeze %dma_wait3A_293 : memref<1x1x128xi32, #tpu.memory_space<vmem>> -> memref<128xi32, #tpu.memory_space<vmem>>
    %dma_wait3A_295 = arith.constant 0 : i32
    %dma_wait3A_296 = arith.constant 0 : i32
    %dma_wait3A_297 = tpu.memref_slice %arg2[%dma_wait3A_295, %dma_wait3A_296] : memref<1000001x32xf32, #tpu.memory_space<hbm>> -> memref<1000001x32xf32, #tpu.memory_space<hbm>>
    tpu.wait_indirect_dma semaphore(%arg8 : memref<!tpu.dma_semaphore, #tpu.memory_space<semaphore_mem>>) src(%dma_wait3A_297 : memref<1000001x32xf32, #tpu.memory_space<hbm>>) dst(%dma_wait3A_291 : memref<128x32xf32, #tpu.memory_space<vmem>>)
    %dma_wait3A_298 = arith.constant 0 : i32
    %dma_wait3A_299 = arith.constant 2 : i32
    %dma_wait3A_300 = arith.constant 256 : i32
    %dma_wait3A_301 = arith.constant 0 : i32
    %dma_wait3A_302 = tpu.memref_slice %arg7[%dma_wait3A_300, %dma_wait3A_301] : memref<3072x32xf32, #tpu.memory_space<vmem>> -> memref<128x32xf32, #tpu.memory_space<vmem>>
    %dma_wait3A_303 = arith.constant 0 : i32
    %dma_wait3A_304 = tpu.memref_slice %arg6[%dma_wait3A_298, %dma_wait3A_299, %dma_wait3A_303] : memref<6x4x128xi32, #tpu.memory_space<vmem>> -> memref<1x1x128xi32, #tpu.memory_space<vmem>>
    %dma_wait3A_305 = tpu.memref_squeeze %dma_wait3A_304 : memref<1x1x128xi32, #tpu.memory_space<vmem>> -> memref<128xi32, #tpu.memory_space<vmem>>
    %dma_wait3A_306 = arith.constant 0 : i32
    %dma_wait3A_307 = arith.constant 0 : i32
    %dma_wait3A_308 = tpu.memref_slice %arg2[%dma_wait3A_306, %dma_wait3A_307] : memref<1000001x32xf32, #tpu.memory_space<hbm>> -> memref<1000001x32xf32, #tpu.memory_space<hbm>>
    tpu.wait_indirect_dma semaphore(%arg8 : memref<!tpu.dma_semaphore, #tpu.memory_space<semaphore_mem>>) src(%dma_wait3A_308 : memref<1000001x32xf32, #tpu.memory_space<hbm>>) dst(%dma_wait3A_302 : memref<128x32xf32, #tpu.memory_space<vmem>>)
    %dma_wait3A_309 = arith.constant 0 : i32
    %dma_wait3A_310 = arith.constant 3 : i32
    %dma_wait3A_311 = arith.constant 384 : i32
    %dma_wait3A_312 = arith.constant 0 : i32
    %dma_wait3A_313 = tpu.memref_slice %arg7[%dma_wait3A_311, %dma_wait3A_312] : memref<3072x32xf32, #tpu.memory_space<vmem>> -> memref<128x32xf32, #tpu.memory_space<vmem>>
    %dma_wait3A_314 = arith.constant 0 : i32
    %dma_wait3A_315 = tpu.memref_slice %arg6[%dma_wait3A_309, %dma_wait3A_310, %dma_wait3A_314] : memref<6x4x128xi32, #tpu.memory_space<vmem>> -> memref<1x1x128xi32, #tpu.memory_space<vmem>>
    %dma_wait3A_316 = tpu.memref_squeeze %dma_wait3A_315 : memref<1x1x128xi32, #tpu.memory_space<vmem>> -> memref<128xi32, #tpu.memory_space<vmem>>
    %dma_wait3A_317 = arith.constant 0 : i32
    %dma_wait3A_318 = arith.constant 0 : i32
    %dma_wait3A_319 = tpu.memref_slice %arg2[%dma_wait3A_317, %dma_wait3A_318] : memref<1000001x32xf32, #tpu.memory_space<hbm>> -> memref<1000001x32xf32, #tpu.memory_space<hbm>>
    tpu.wait_indirect_dma semaphore(%arg8 : memref<!tpu.dma_semaphore, #tpu.memory_space<semaphore_mem>>) src(%dma_wait3A_319 : memref<1000001x32xf32, #tpu.memory_space<hbm>>) dst(%dma_wait3A_313 : memref<128x32xf32, #tpu.memory_space<vmem>>)
    %dma_wait3A_320 = arith.constant 1 : i32
    %dma_wait3A_321 = arith.constant 0 : i32
    %dma_wait3A_322 = arith.constant 512 : i32
    %dma_wait3A_323 = arith.constant 0 : i32
    %dma_wait3A_324 = tpu.memref_slice %arg7[%dma_wait3A_322, %dma_wait3A_323] : memref<3072x32xf32, #tpu.memory_space<vmem>> -> memref<128x32xf32, #tpu.memory_space<vmem>>
    %dma_wait3A_325 = arith.constant 0 : i32
    %dma_wait3A_326 = tpu.memref_slice %arg6[%dma_wait3A_320, %dma_wait3A_321, %dma_wait3A_325] : memref<6x4x128xi32, #tpu.memory_space<vmem>> -> memref<1x1x128xi32, #tpu.memory_space<vmem>>
    %dma_wait3A_327 = tpu.memref_squeeze %dma_wait3A_326 : memref<1x1x128xi32, #tpu.memory_space<vmem>> -> memref<128xi32, #tpu.memory_space<vmem>>
    %dma_wait3A_328 = arith.constant 0 : i32
    %dma_wait3A_329 = arith.constant 0 : i32
    %dma_wait3A_330 = tpu.memref_slice %arg3[%dma_wait3A_328, %dma_wait3A_329] : memref<1000001x32xf32, #tpu.memory_space<hbm>> -> memref<1000001x32xf32, #tpu.memory_space<hbm>>
    tpu.wait_indirect_dma semaphore(%arg8 : memref<!tpu.dma_semaphore, #tpu.memory_space<semaphore_mem>>) src(%dma_wait3A_330 : memref<1000001x32xf32, #tpu.memory_space<hbm>>) dst(%dma_wait3A_324 : memref<128x32xf32, #tpu.memory_space<vmem>>)
    %dma_wait3A_331 = arith.constant 1 : i32
    %dma_wait3A_332 = arith.constant 1 : i32
    %dma_wait3A_333 = arith.constant 640 : i32
    %dma_wait3A_334 = arith.constant 0 : i32
    %dma_wait3A_335 = tpu.memref_slice %arg7[%dma_wait3A_333, %dma_wait3A_334] : memref<3072x32xf32, #tpu.memory_space<vmem>> -> memref<128x32xf32, #tpu.memory_space<vmem>>
    %dma_wait3A_336 = arith.constant 0 : i32
    %dma_wait3A_337 = tpu.memref_slice %arg6[%dma_wait3A_331, %dma_wait3A_332, %dma_wait3A_336] : memref<6x4x128xi32, #tpu.memory_space<vmem>> -> memref<1x1x128xi32, #tpu.memory_space<vmem>>
    %dma_wait3A_338 = tpu.memref_squeeze %dma_wait3A_337 : memref<1x1x128xi32, #tpu.memory_space<vmem>> -> memref<128xi32, #tpu.memory_space<vmem>>
    %dma_wait3A_339 = arith.constant 0 : i32
    %dma_wait3A_340 = arith.constant 0 : i32
    %dma_wait3A_341 = tpu.memref_slice %arg3[%dma_wait3A_339, %dma_wait3A_340] : memref<1000001x32xf32, #tpu.memory_space<hbm>> -> memref<1000001x32xf32, #tpu.memory_space<hbm>>
    tpu.wait_indirect_dma semaphore(%arg8 : memref<!tpu.dma_semaphore, #tpu.memory_space<semaphore_mem>>) src(%dma_wait3A_341 : memref<1000001x32xf32, #tpu.memory_space<hbm>>) dst(%dma_wait3A_335 : memref<128x32xf32, #tpu.memory_space<vmem>>)
    %dma_wait3A_342 = arith.constant 1 : i32
    %dma_wait3A_343 = arith.constant 2 : i32
    %dma_wait3A_344 = arith.constant 768 : i32
    %dma_wait3A_345 = arith.constant 0 : i32
    %dma_wait3A_346 = tpu.memref_slice %arg7[%dma_wait3A_344, %dma_wait3A_345] : memref<3072x32xf32, #tpu.memory_space<vmem>> -> memref<128x32xf32, #tpu.memory_space<vmem>>
    %dma_wait3A_347 = arith.constant 0 : i32
    %dma_wait3A_348 = tpu.memref_slice %arg6[%dma_wait3A_342, %dma_wait3A_343, %dma_wait3A_347] : memref<6x4x128xi32, #tpu.memory_space<vmem>> -> memref<1x1x128xi32, #tpu.memory_space<vmem>>
    %dma_wait3A_349 = tpu.memref_squeeze %dma_wait3A_348 : memref<1x1x128xi32, #tpu.memory_space<vmem>> -> memref<128xi32, #tpu.memory_space<vmem>>
    %dma_wait3A_350 = arith.constant 0 : i32
    %dma_wait3A_351 = arith.constant 0 : i32
    %dma_wait3A_352 = tpu.memref_slice %arg3[%dma_wait3A_350, %dma_wait3A_351] : memref<1000001x32xf32, #tpu.memory_space<hbm>> -> memref<1000001x32xf32, #tpu.memory_space<hbm>>
    tpu.wait_indirect_dma semaphore(%arg8 : memref<!tpu.dma_semaphore, #tpu.memory_space<semaphore_mem>>) src(%dma_wait3A_352 : memref<1000001x32xf32, #tpu.memory_space<hbm>>) dst(%dma_wait3A_346 : memref<128x32xf32, #tpu.memory_space<vmem>>)
    %dma_wait3A_353 = arith.constant 1 : i32
    %dma_wait3A_354 = arith.constant 3 : i32
    %dma_wait3A_355 = arith.constant 896 : i32
    %dma_wait3A_356 = arith.constant 0 : i32
    %dma_wait3A_357 = tpu.memref_slice %arg7[%dma_wait3A_355, %dma_wait3A_356] : memref<3072x32xf32, #tpu.memory_space<vmem>> -> memref<128x32xf32, #tpu.memory_space<vmem>>
    %dma_wait3A_358 = arith.constant 0 : i32
    %dma_wait3A_359 = tpu.memref_slice %arg6[%dma_wait3A_353, %dma_wait3A_354, %dma_wait3A_358] : memref<6x4x128xi32, #tpu.memory_space<vmem>> -> memref<1x1x128xi32, #tpu.memory_space<vmem>>
    %dma_wait3A_360 = tpu.memref_squeeze %dma_wait3A_359 : memref<1x1x128xi32, #tpu.memory_space<vmem>> -> memref<128xi32, #tpu.memory_space<vmem>>
    %dma_wait3A_361 = arith.constant 0 : i32
    %dma_wait3A_362 = arith.constant 0 : i32
    %dma_wait3A_363 = tpu.memref_slice %arg3[%dma_wait3A_361, %dma_wait3A_362] : memref<1000001x32xf32, #tpu.memory_space<hbm>> -> memref<1000001x32xf32, #tpu.memory_space<hbm>>
    tpu.wait_indirect_dma semaphore(%arg8 : memref<!tpu.dma_semaphore, #tpu.memory_space<semaphore_mem>>) src(%dma_wait3A_363 : memref<1000001x32xf32, #tpu.memory_space<hbm>>) dst(%dma_wait3A_357 : memref<128x32xf32, #tpu.memory_space<vmem>>)
    %dma_wait3A_364 = arith.constant 2 : i32
    %dma_wait3A_365 = arith.constant 0 : i32
    %dma_wait3A_366 = arith.constant 1024 : i32
    %dma_wait3A_367 = arith.constant 0 : i32
    %dma_wait3A_368 = tpu.memref_slice %arg7[%dma_wait3A_366, %dma_wait3A_367] : memref<3072x32xf32, #tpu.memory_space<vmem>> -> memref<128x32xf32, #tpu.memory_space<vmem>>
    %dma_wait3A_369 = arith.constant 0 : i32
    %dma_wait3A_370 = tpu.memref_slice %arg6[%dma_wait3A_364, %dma_wait3A_365, %dma_wait3A_369] : memref<6x4x128xi32, #tpu.memory_space<vmem>> -> memref<1x1x128xi32, #tpu.memory_space<vmem>>
    %dma_wait3A_371 = tpu.memref_squeeze %dma_wait3A_370 : memref<1x1x128xi32, #tpu.memory_space<vmem>> -> memref<128xi32, #tpu.memory_space<vmem>>
    %dma_wait3A_372 = arith.constant 0 : i32
    %dma_wait3A_373 = arith.constant 0 : i32
    %dma_wait3A_374 = tpu.memref_slice %arg2[%dma_wait3A_372, %dma_wait3A_373] : memref<1000001x32xf32, #tpu.memory_space<hbm>> -> memref<1000001x32xf32, #tpu.memory_space<hbm>>
    tpu.wait_indirect_dma semaphore(%arg8 : memref<!tpu.dma_semaphore, #tpu.memory_space<semaphore_mem>>) src(%dma_wait3A_374 : memref<1000001x32xf32, #tpu.memory_space<hbm>>) dst(%dma_wait3A_368 : memref<128x32xf32, #tpu.memory_space<vmem>>)
    %dma_wait3A_375 = arith.constant 2 : i32
    %dma_wait3A_376 = arith.constant 1 : i32
    %dma_wait3A_377 = arith.constant 1152 : i32
    %dma_wait3A_378 = arith.constant 0 : i32
    %dma_wait3A_379 = tpu.memref_slice %arg7[%dma_wait3A_377, %dma_wait3A_378] : memref<3072x32xf32, #tpu.memory_space<vmem>> -> memref<128x32xf32, #tpu.memory_space<vmem>>
    %dma_wait3A_380 = arith.constant 0 : i32
    %dma_wait3A_381 = tpu.memref_slice %arg6[%dma_wait3A_375, %dma_wait3A_376, %dma_wait3A_380] : memref<6x4x128xi32, #tpu.memory_space<vmem>> -> memref<1x1x128xi32, #tpu.memory_space<vmem>>
    %dma_wait3A_382 = tpu.memref_squeeze %dma_wait3A_381 : memref<1x1x128xi32, #tpu.memory_space<vmem>> -> memref<128xi32, #tpu.memory_space<vmem>>
    %dma_wait3A_383 = arith.constant 0 : i32
    %dma_wait3A_384 = arith.constant 0 : i32
    %dma_wait3A_385 = tpu.memref_slice %arg2[%dma_wait3A_383, %dma_wait3A_384] : memref<1000001x32xf32, #tpu.memory_space<hbm>> -> memref<1000001x32xf32, #tpu.memory_space<hbm>>
    tpu.wait_indirect_dma semaphore(%arg8 : memref<!tpu.dma_semaphore, #tpu.memory_space<semaphore_mem>>) src(%dma_wait3A_385 : memref<1000001x32xf32, #tpu.memory_space<hbm>>) dst(%dma_wait3A_379 : memref<128x32xf32, #tpu.memory_space<vmem>>)
    %dma_wait3A_386 = arith.constant 2 : i32
    %dma_wait3A_387 = arith.constant 2 : i32
    %dma_wait3A_388 = arith.constant 1280 : i32
    %dma_wait3A_389 = arith.constant 0 : i32
    %dma_wait3A_390 = tpu.memref_slice %arg7[%dma_wait3A_388, %dma_wait3A_389] : memref<3072x32xf32, #tpu.memory_space<vmem>> -> memref<128x32xf32, #tpu.memory_space<vmem>>
    %dma_wait3A_391 = arith.constant 0 : i32
    %dma_wait3A_392 = tpu.memref_slice %arg6[%dma_wait3A_386, %dma_wait3A_387, %dma_wait3A_391] : memref<6x4x128xi32, #tpu.memory_space<vmem>> -> memref<1x1x128xi32, #tpu.memory_space<vmem>>
    %dma_wait3A_393 = tpu.memref_squeeze %dma_wait3A_392 : memref<1x1x128xi32, #tpu.memory_space<vmem>> -> memref<128xi32, #tpu.memory_space<vmem>>
    %dma_wait3A_394 = arith.constant 0 : i32
    %dma_wait3A_395 = arith.constant 0 : i32
    %dma_wait3A_396 = tpu.memref_slice %arg2[%dma_wait3A_394, %dma_wait3A_395] : memref<1000001x32xf32, #tpu.memory_space<hbm>> -> memref<1000001x32xf32, #tpu.memory_space<hbm>>
    tpu.wait_indirect_dma semaphore(%arg8 : memref<!tpu.dma_semaphore, #tpu.memory_space<semaphore_mem>>) src(%dma_wait3A_396 : memref<1000001x32xf32, #tpu.memory_space<hbm>>) dst(%dma_wait3A_390 : memref<128x32xf32, #tpu.memory_space<vmem>>)
    %dma_wait3A_397 = arith.constant 2 : i32
    %dma_wait3A_398 = arith.constant 3 : i32
    %dma_wait3A_399 = arith.constant 1408 : i32
    %dma_wait3A_400 = arith.constant 0 : i32
    %dma_wait3A_401 = tpu.memref_slice %arg7[%dma_wait3A_399, %dma_wait3A_400] : memref<3072x32xf32, #tpu.memory_space<vmem>> -> memref<128x32xf32, #tpu.memory_space<vmem>>
    %dma_wait3A_402 = arith.constant 0 : i32
    %dma_wait3A_403 = tpu.memref_slice %arg6[%dma_wait3A_397, %dma_wait3A_398, %dma_wait3A_402] : memref<6x4x128xi32, #tpu.memory_space<vmem>> -> memref<1x1x128xi32, #tpu.memory_space<vmem>>
    %dma_wait3A_404 = tpu.memref_squeeze %dma_wait3A_403 : memref<1x1x128xi32, #tpu.memory_space<vmem>> -> memref<128xi32, #tpu.memory_space<vmem>>
    %dma_wait3A_405 = arith.constant 0 : i32
    %dma_wait3A_406 = arith.constant 0 : i32
    %dma_wait3A_407 = tpu.memref_slice %arg2[%dma_wait3A_405, %dma_wait3A_406] : memref<1000001x32xf32, #tpu.memory_space<hbm>> -> memref<1000001x32xf32, #tpu.memory_space<hbm>>
    tpu.wait_indirect_dma semaphore(%arg8 : memref<!tpu.dma_semaphore, #tpu.memory_space<semaphore_mem>>) src(%dma_wait3A_407 : memref<1000001x32xf32, #tpu.memory_space<hbm>>) dst(%dma_wait3A_401 : memref<128x32xf32, #tpu.memory_space<vmem>>)
    %dma_wait3A_408 = arith.constant 3 : i32
    %dma_wait3A_409 = arith.constant 0 : i32
    %dma_wait3A_410 = arith.constant 1536 : i32
    %dma_wait3A_411 = arith.constant 0 : i32
    %dma_wait3A_412 = tpu.memref_slice %arg7[%dma_wait3A_410, %dma_wait3A_411] : memref<3072x32xf32, #tpu.memory_space<vmem>> -> memref<128x32xf32, #tpu.memory_space<vmem>>
    %dma_wait3A_413 = arith.constant 0 : i32
    %dma_wait3A_414 = tpu.memref_slice %arg6[%dma_wait3A_408, %dma_wait3A_409, %dma_wait3A_413] : memref<6x4x128xi32, #tpu.memory_space<vmem>> -> memref<1x1x128xi32, #tpu.memory_space<vmem>>
    %dma_wait3A_415 = tpu.memref_squeeze %dma_wait3A_414 : memref<1x1x128xi32, #tpu.memory_space<vmem>> -> memref<128xi32, #tpu.memory_space<vmem>>
    %dma_wait3A_416 = arith.constant 0 : i32
    %dma_wait3A_417 = arith.constant 0 : i32
    %dma_wait3A_418 = tpu.memref_slice %arg2[%dma_wait3A_416, %dma_wait3A_417] : memref<1000001x32xf32, #tpu.memory_space<hbm>> -> memref<1000001x32xf32, #tpu.memory_space<hbm>>
    tpu.wait_indirect_dma semaphore(%arg8 : memref<!tpu.dma_semaphore, #tpu.memory_space<semaphore_mem>>) src(%dma_wait3A_418 : memref<1000001x32xf32, #tpu.memory_space<hbm>>) dst(%dma_wait3A_412 : memref<128x32xf32, #tpu.memory_space<vmem>>)
    %dma_wait3A_419 = arith.constant 3 : i32
    %dma_wait3A_420 = arith.constant 1 : i32
    %dma_wait3A_421 = arith.constant 1664 : i32
    %dma_wait3A_422 = arith.constant 0 : i32
    %dma_wait3A_423 = tpu.memref_slice %arg7[%dma_wait3A_421, %dma_wait3A_422] : memref<3072x32xf32, #tpu.memory_space<vmem>> -> memref<128x32xf32, #tpu.memory_space<vmem>>
    %dma_wait3A_424 = arith.constant 0 : i32
    %dma_wait3A_425 = tpu.memref_slice %arg6[%dma_wait3A_419, %dma_wait3A_420, %dma_wait3A_424] : memref<6x4x128xi32, #tpu.memory_space<vmem>> -> memref<1x1x128xi32, #tpu.memory_space<vmem>>
    %dma_wait3A_426 = tpu.memref_squeeze %dma_wait3A_425 : memref<1x1x128xi32, #tpu.memory_space<vmem>> -> memref<128xi32, #tpu.memory_space<vmem>>
    %dma_wait3A_427 = arith.constant 0 : i32
    %dma_wait3A_428 = arith.constant 0 : i32
    %dma_wait3A_429 = tpu.memref_slice %arg2[%dma_wait3A_427, %dma_wait3A_428] : memref<1000001x32xf32, #tpu.memory_space<hbm>> -> memref<1000001x32xf32, #tpu.memory_space<hbm>>
    tpu.wait_indirect_dma semaphore(%arg8 : memref<!tpu.dma_semaphore, #tpu.memory_space<semaphore_mem>>) src(%dma_wait3A_429 : memref<1000001x32xf32, #tpu.memory_space<hbm>>) dst(%dma_wait3A_423 : memref<128x32xf32, #tpu.memory_space<vmem>>)
    %dma_wait3A_430 = arith.constant 3 : i32
    %dma_wait3A_431 = arith.constant 2 : i32
    %dma_wait3A_432 = arith.constant 1792 : i32
    %dma_wait3A_433 = arith.constant 0 : i32
    %dma_wait3A_434 = tpu.memref_slice %arg7[%dma_wait3A_432, %dma_wait3A_433] : memref<3072x32xf32, #tpu.memory_space<vmem>> -> memref<128x32xf32, #tpu.memory_space<vmem>>
    %dma_wait3A_435 = arith.constant 0 : i32
    %dma_wait3A_436 = tpu.memref_slice %arg6[%dma_wait3A_430, %dma_wait3A_431, %dma_wait3A_435] : memref<6x4x128xi32, #tpu.memory_space<vmem>> -> memref<1x1x128xi32, #tpu.memory_space<vmem>>
    %dma_wait3A_437 = tpu.memref_squeeze %dma_wait3A_436 : memref<1x1x128xi32, #tpu.memory_space<vmem>> -> memref<128xi32, #tpu.memory_space<vmem>>
    %dma_wait3A_438 = arith.constant 0 : i32
    %dma_wait3A_439 = arith.constant 0 : i32
    %dma_wait3A_440 = tpu.memref_slice %arg2[%dma_wait3A_438, %dma_wait3A_439] : memref<1000001x32xf32, #tpu.memory_space<hbm>> -> memref<1000001x32xf32, #tpu.memory_space<hbm>>
    tpu.wait_indirect_dma semaphore(%arg8 : memref<!tpu.dma_semaphore, #tpu.memory_space<semaphore_mem>>) src(%dma_wait3A_440 : memref<1000001x32xf32, #tpu.memory_space<hbm>>) dst(%dma_wait3A_434 : memref<128x32xf32, #tpu.memory_space<vmem>>)
    %dma_wait3A_441 = arith.constant 3 : i32
    %dma_wait3A_442 = arith.constant 3 : i32
    %dma_wait3A_443 = arith.constant 1920 : i32
    %dma_wait3A_444 = arith.constant 0 : i32
    %dma_wait3A_445 = tpu.memref_slice %arg7[%dma_wait3A_443, %dma_wait3A_444] : memref<3072x32xf32, #tpu.memory_space<vmem>> -> memref<128x32xf32, #tpu.memory_space<vmem>>
    %dma_wait3A_446 = arith.constant 0 : i32
    %dma_wait3A_447 = tpu.memref_slice %arg6[%dma_wait3A_441, %dma_wait3A_442, %dma_wait3A_446] : memref<6x4x128xi32, #tpu.memory_space<vmem>> -> memref<1x1x128xi32, #tpu.memory_space<vmem>>
    %dma_wait3A_448 = tpu.memref_squeeze %dma_wait3A_447 : memref<1x1x128xi32, #tpu.memory_space<vmem>> -> memref<128xi32, #tpu.memory_space<vmem>>
    %dma_wait3A_449 = arith.constant 0 : i32
    %dma_wait3A_450 = arith.constant 0 : i32
    %dma_wait3A_451 = tpu.memref_slice %arg2[%dma_wait3A_449, %dma_wait3A_450] : memref<1000001x32xf32, #tpu.memory_space<hbm>> -> memref<1000001x32xf32, #tpu.memory_space<hbm>>
    tpu.wait_indirect_dma semaphore(%arg8 : memref<!tpu.dma_semaphore, #tpu.memory_space<semaphore_mem>>) src(%dma_wait3A_451 : memref<1000001x32xf32, #tpu.memory_space<hbm>>) dst(%dma_wait3A_445 : memref<128x32xf32, #tpu.memory_space<vmem>>)
    %dma_wait3A_452 = arith.constant 4 : i32
    %dma_wait3A_453 = arith.constant 0 : i32
    %dma_wait3A_454 = arith.constant 2048 : i32
    %dma_wait3A_455 = arith.constant 0 : i32
    %dma_wait3A_456 = tpu.memref_slice %arg7[%dma_wait3A_454, %dma_wait3A_455] : memref<3072x32xf32, #tpu.memory_space<vmem>> -> memref<128x32xf32, #tpu.memory_space<vmem>>
    %dma_wait3A_457 = arith.constant 0 : i32
    %dma_wait3A_458 = tpu.memref_slice %arg6[%dma_wait3A_452, %dma_wait3A_453, %dma_wait3A_457] : memref<6x4x128xi32, #tpu.memory_space<vmem>> -> memref<1x1x128xi32, #tpu.memory_space<vmem>>
    %dma_wait3A_459 = tpu.memref_squeeze %dma_wait3A_458 : memref<1x1x128xi32, #tpu.memory_space<vmem>> -> memref<128xi32, #tpu.memory_space<vmem>>
    %dma_wait3A_460 = arith.constant 0 : i32
    %dma_wait3A_461 = arith.constant 0 : i32
    %dma_wait3A_462 = tpu.memref_slice %arg3[%dma_wait3A_460, %dma_wait3A_461] : memref<1000001x32xf32, #tpu.memory_space<hbm>> -> memref<1000001x32xf32, #tpu.memory_space<hbm>>
    tpu.wait_indirect_dma semaphore(%arg8 : memref<!tpu.dma_semaphore, #tpu.memory_space<semaphore_mem>>) src(%dma_wait3A_462 : memref<1000001x32xf32, #tpu.memory_space<hbm>>) dst(%dma_wait3A_456 : memref<128x32xf32, #tpu.memory_space<vmem>>)
    %dma_wait3A_463 = arith.constant 4 : i32
    %dma_wait3A_464 = arith.constant 1 : i32
    %dma_wait3A_465 = arith.constant 2176 : i32
    %dma_wait3A_466 = arith.constant 0 : i32
    %dma_wait3A_467 = tpu.memref_slice %arg7[%dma_wait3A_465, %dma_wait3A_466] : memref<3072x32xf32, #tpu.memory_space<vmem>> -> memref<128x32xf32, #tpu.memory_space<vmem>>
    %dma_wait3A_468 = arith.constant 0 : i32
    %dma_wait3A_469 = tpu.memref_slice %arg6[%dma_wait3A_463, %dma_wait3A_464, %dma_wait3A_468] : memref<6x4x128xi32, #tpu.memory_space<vmem>> -> memref<1x1x128xi32, #tpu.memory_space<vmem>>
    %dma_wait3A_470 = tpu.memref_squeeze %dma_wait3A_469 : memref<1x1x128xi32, #tpu.memory_space<vmem>> -> memref<128xi32, #tpu.memory_space<vmem>>
    %dma_wait3A_471 = arith.constant 0 : i32
    %dma_wait3A_472 = arith.constant 0 : i32
    %dma_wait3A_473 = tpu.memref_slice %arg3[%dma_wait3A_471, %dma_wait3A_472] : memref<1000001x32xf32, #tpu.memory_space<hbm>> -> memref<1000001x32xf32, #tpu.memory_space<hbm>>
    tpu.wait_indirect_dma semaphore(%arg8 : memref<!tpu.dma_semaphore, #tpu.memory_space<semaphore_mem>>) src(%dma_wait3A_473 : memref<1000001x32xf32, #tpu.memory_space<hbm>>) dst(%dma_wait3A_467 : memref<128x32xf32, #tpu.memory_space<vmem>>)
    %dma_wait3A_474 = arith.constant 4 : i32
    %dma_wait3A_475 = arith.constant 2 : i32
    %dma_wait3A_476 = arith.constant 2304 : i32
    %dma_wait3A_477 = arith.constant 0 : i32
    %dma_wait3A_478 = tpu.memref_slice %arg7[%dma_wait3A_476, %dma_wait3A_477] : memref<3072x32xf32, #tpu.memory_space<vmem>> -> memref<128x32xf32, #tpu.memory_space<vmem>>
    %dma_wait3A_479 = arith.constant 0 : i32
    %dma_wait3A_480 = tpu.memref_slice %arg6[%dma_wait3A_474, %dma_wait3A_475, %dma_wait3A_479] : memref<6x4x128xi32, #tpu.memory_space<vmem>> -> memref<1x1x128xi32, #tpu.memory_space<vmem>>
    %dma_wait3A_481 = tpu.memref_squeeze %dma_wait3A_480 : memref<1x1x128xi32, #tpu.memory_space<vmem>> -> memref<128xi32, #tpu.memory_space<vmem>>
    %dma_wait3A_482 = arith.constant 0 : i32
    %dma_wait3A_483 = arith.constant 0 : i32
    %dma_wait3A_484 = tpu.memref_slice %arg3[%dma_wait3A_482, %dma_wait3A_483] : memref<1000001x32xf32, #tpu.memory_space<hbm>> -> memref<1000001x32xf32, #tpu.memory_space<hbm>>
    tpu.wait_indirect_dma semaphore(%arg8 : memref<!tpu.dma_semaphore, #tpu.memory_space<semaphore_mem>>) src(%dma_wait3A_484 : memref<1000001x32xf32, #tpu.memory_space<hbm>>) dst(%dma_wait3A_478 : memref<128x32xf32, #tpu.memory_space<vmem>>)
    %dma_wait3A_485 = arith.constant 4 : i32
    %dma_wait3A_486 = arith.constant 3 : i32
    %dma_wait3A_487 = arith.constant 2432 : i32
    %dma_wait3A_488 = arith.constant 0 : i32
    %dma_wait3A_489 = tpu.memref_slice %arg7[%dma_wait3A_487, %dma_wait3A_488] : memref<3072x32xf32, #tpu.memory_space<vmem>> -> memref<128x32xf32, #tpu.memory_space<vmem>>
    %dma_wait3A_490 = arith.constant 0 : i32
    %dma_wait3A_491 = tpu.memref_slice %arg6[%dma_wait3A_485, %dma_wait3A_486, %dma_wait3A_490] : memref<6x4x128xi32, #tpu.memory_space<vmem>> -> memref<1x1x128xi32, #tpu.memory_space<vmem>>
    %dma_wait3A_492 = tpu.memref_squeeze %dma_wait3A_491 : memref<1x1x128xi32, #tpu.memory_space<vmem>> -> memref<128xi32, #tpu.memory_space<vmem>>
    %dma_wait3A_493 = arith.constant 0 : i32
    %dma_wait3A_494 = arith.constant 0 : i32
    %dma_wait3A_495 = tpu.memref_slice %arg3[%dma_wait3A_493, %dma_wait3A_494] : memref<1000001x32xf32, #tpu.memory_space<hbm>> -> memref<1000001x32xf32, #tpu.memory_space<hbm>>
    tpu.wait_indirect_dma semaphore(%arg8 : memref<!tpu.dma_semaphore, #tpu.memory_space<semaphore_mem>>) src(%dma_wait3A_495 : memref<1000001x32xf32, #tpu.memory_space<hbm>>) dst(%dma_wait3A_489 : memref<128x32xf32, #tpu.memory_space<vmem>>)
    %dma_wait3A_496 = arith.constant 5 : i32
    %dma_wait3A_497 = arith.constant 0 : i32
    %dma_wait3A_498 = arith.constant 2560 : i32
    %dma_wait3A_499 = arith.constant 0 : i32
    %dma_wait3A_500 = tpu.memref_slice %arg7[%dma_wait3A_498, %dma_wait3A_499] : memref<3072x32xf32, #tpu.memory_space<vmem>> -> memref<128x32xf32, #tpu.memory_space<vmem>>
    %dma_wait3A_501 = arith.constant 0 : i32
    %dma_wait3A_502 = tpu.memref_slice %arg6[%dma_wait3A_496, %dma_wait3A_497, %dma_wait3A_501] : memref<6x4x128xi32, #tpu.memory_space<vmem>> -> memref<1x1x128xi32, #tpu.memory_space<vmem>>
    %dma_wait3A_503 = tpu.memref_squeeze %dma_wait3A_502 : memref<1x1x128xi32, #tpu.memory_space<vmem>> -> memref<128xi32, #tpu.memory_space<vmem>>
    %dma_wait3A_504 = arith.constant 0 : i32
    %dma_wait3A_505 = arith.constant 0 : i32
    %dma_wait3A_506 = tpu.memref_slice %arg2[%dma_wait3A_504, %dma_wait3A_505] : memref<1000001x32xf32, #tpu.memory_space<hbm>> -> memref<1000001x32xf32, #tpu.memory_space<hbm>>
    tpu.wait_indirect_dma semaphore(%arg8 : memref<!tpu.dma_semaphore, #tpu.memory_space<semaphore_mem>>) src(%dma_wait3A_506 : memref<1000001x32xf32, #tpu.memory_space<hbm>>) dst(%dma_wait3A_500 : memref<128x32xf32, #tpu.memory_space<vmem>>)
    %dma_wait3A_507 = arith.constant 5 : i32
    %dma_wait3A_508 = arith.constant 1 : i32
    %dma_wait3A_509 = arith.constant 2688 : i32
    %dma_wait3A_510 = arith.constant 0 : i32
    %dma_wait3A_511 = tpu.memref_slice %arg7[%dma_wait3A_509, %dma_wait3A_510] : memref<3072x32xf32, #tpu.memory_space<vmem>> -> memref<128x32xf32, #tpu.memory_space<vmem>>
    %dma_wait3A_512 = arith.constant 0 : i32
    %dma_wait3A_513 = tpu.memref_slice %arg6[%dma_wait3A_507, %dma_wait3A_508, %dma_wait3A_512] : memref<6x4x128xi32, #tpu.memory_space<vmem>> -> memref<1x1x128xi32, #tpu.memory_space<vmem>>
    %dma_wait3A_514 = tpu.memref_squeeze %dma_wait3A_513 : memref<1x1x128xi32, #tpu.memory_space<vmem>> -> memref<128xi32, #tpu.memory_space<vmem>>
    %dma_wait3A_515 = arith.constant 0 : i32
    %dma_wait3A_516 = arith.constant 0 : i32
    %dma_wait3A_517 = tpu.memref_slice %arg2[%dma_wait3A_515, %dma_wait3A_516] : memref<1000001x32xf32, #tpu.memory_space<hbm>> -> memref<1000001x32xf32, #tpu.memory_space<hbm>>
    tpu.wait_indirect_dma semaphore(%arg8 : memref<!tpu.dma_semaphore, #tpu.memory_space<semaphore_mem>>) src(%dma_wait3A_517 : memref<1000001x32xf32, #tpu.memory_space<hbm>>) dst(%dma_wait3A_511 : memref<128x32xf32, #tpu.memory_space<vmem>>)
    %dma_wait3A_518 = arith.constant 5 : i32
    %dma_wait3A_519 = arith.constant 2 : i32
    %dma_wait3A_520 = arith.constant 2816 : i32
    %dma_wait3A_521 = arith.constant 0 : i32
    %dma_wait3A_522 = tpu.memref_slice %arg7[%dma_wait3A_520, %dma_wait3A_521] : memref<3072x32xf32, #tpu.memory_space<vmem>> -> memref<128x32xf32, #tpu.memory_space<vmem>>
    %dma_wait3A_523 = arith.constant 0 : i32
    %dma_wait3A_524 = tpu.memref_slice %arg6[%dma_wait3A_518, %dma_wait3A_519, %dma_wait3A_523] : memref<6x4x128xi32, #tpu.memory_space<vmem>> -> memref<1x1x128xi32, #tpu.memory_space<vmem>>
    %dma_wait3A_525 = tpu.memref_squeeze %dma_wait3A_524 : memref<1x1x128xi32, #tpu.memory_space<vmem>> -> memref<128xi32, #tpu.memory_space<vmem>>
    %dma_wait3A_526 = arith.constant 0 : i32
    %dma_wait3A_527 = arith.constant 0 : i32
    %dma_wait3A_528 = tpu.memref_slice %arg2[%dma_wait3A_526, %dma_wait3A_527] : memref<1000001x32xf32, #tpu.memory_space<hbm>> -> memref<1000001x32xf32, #tpu.memory_space<hbm>>
    tpu.wait_indirect_dma semaphore(%arg8 : memref<!tpu.dma_semaphore, #tpu.memory_space<semaphore_mem>>) src(%dma_wait3A_528 : memref<1000001x32xf32, #tpu.memory_space<hbm>>) dst(%dma_wait3A_522 : memref<128x32xf32, #tpu.memory_space<vmem>>)
    %dma_wait3A_529 = arith.constant 5 : i32
    %dma_wait3A_530 = arith.constant 3 : i32
    %dma_wait3A_531 = arith.constant 2944 : i32
    %dma_wait3A_532 = arith.constant 0 : i32
    %dma_wait3A_533 = tpu.memref_slice %arg7[%dma_wait3A_531, %dma_wait3A_532] : memref<3072x32xf32, #tpu.memory_space<vmem>> -> memref<128x32xf32, #tpu.memory_space<vmem>>
    %dma_wait3A_534 = arith.constant 0 : i32
    %dma_wait3A_535 = tpu.memref_slice %arg6[%dma_wait3A_529, %dma_wait3A_530, %dma_wait3A_534] : memref<6x4x128xi32, #tpu.memory_space<vmem>> -> memref<1x1x128xi32, #tpu.memory_space<vmem>>
    %dma_wait3A_536 = tpu.memref_squeeze %dma_wait3A_535 : memref<1x1x128xi32, #tpu.memory_space<vmem>> -> memref<128xi32, #tpu.memory_space<vmem>>
    %dma_wait3A_537 = arith.constant 0 : i32
    %dma_wait3A_538 = arith.constant 0 : i32
    %dma_wait3A_539 = tpu.memref_slice %arg2[%dma_wait3A_537, %dma_wait3A_538] : memref<1000001x32xf32, #tpu.memory_space<hbm>> -> memref<1000001x32xf32, #tpu.memory_space<hbm>>
    tpu.wait_indirect_dma semaphore(%arg8 : memref<!tpu.dma_semaphore, #tpu.memory_space<semaphore_mem>>) src(%dma_wait3A_539 : memref<1000001x32xf32, #tpu.memory_space<hbm>>) dst(%dma_wait3A_533 : memref<128x32xf32, #tpu.memory_space<vmem>>)
    %mul3A_540 = arith.constant 512 : i32
    %mul3A_541 = arith.muli %add3A, %mul3A_540 : i32
    %run_scoped3A_542 = arith.constant 0 : i32
    "tpu.region"() ({
      %run_scoped3A_548 = tpu.sem_alloc : memref<!tpu.dma_semaphore, #tpu.memory_space<semaphore_mem>>
      %dma_start3A_549 = arith.constant 0 : i32
      %dma_start3A_550 = arith.constant 0 : i32
      %dma_start3A_551 = tpu.memref_slice %arg7[%dma_start3A_549, %dma_start3A_550] : memref<3072x32xf32, #tpu.memory_space<vmem>> -> memref<512x32xf32, #tpu.memory_space<vmem>>
      %dma_start3A_552 = arith.constant 0 : i32
      %dma_start3A_553 = tpu.memref_slice %arg5[%run_scoped3A_542, %mul3A_541, %dma_start3A_552] : memref<6x16384x32xf32, #tpu.memory_space<hbm>> -> memref<1x512x32xf32, #tpu.memory_space<hbm>>
      %dma_start3A_554 = tpu.memref_squeeze %dma_start3A_553 : memref<1x512x32xf32, #tpu.memory_space<hbm>> -> memref<512x32xf32, #tpu.memory_space<hbm>>
      %dma_start3A_555 = arith.constant 0 : i32
      %dma_start3A_556 = tpu.memref_slice %arg5[%run_scoped3A_542, %mul3A_541, %dma_start3A_555] : memref<6x16384x32xf32, #tpu.memory_space<hbm>> -> memref<1x512x32xf32, #tpu.memory_space<hbm>>
      %dma_start3A_557 = tpu.memref_squeeze %dma_start3A_556 : memref<1x512x32xf32, #tpu.memory_space<hbm>> -> memref<512x32xf32, #tpu.memory_space<hbm>>
      %dma_start3A_558 = arith.constant 0 : i32
      %dma_start3A_559 = arith.constant 0 : i32
      %dma_start3A_560 = tpu.memref_slice %arg7[%dma_start3A_558, %dma_start3A_559] : memref<3072x32xf32, #tpu.memory_space<vmem>> -> memref<512x32xf32, #tpu.memory_space<vmem>>
      tpu.enqueue_dma source(%dma_start3A_560 : memref<512x32xf32, #tpu.memory_space<vmem>>) target(%dma_start3A_557 : memref<512x32xf32, #tpu.memory_space<hbm>>) target_semaphore(%run_scoped3A_548 : memref<!tpu.dma_semaphore, #tpu.memory_space<semaphore_mem>>)
      %dma_wait3A_561 = arith.constant 0 : i32
      %dma_wait3A_562 = arith.constant 0 : i32
      %dma_wait3A_563 = tpu.memref_slice %arg7[%dma_wait3A_561, %dma_wait3A_562] : memref<3072x32xf32, #tpu.memory_space<vmem>> -> memref<512x32xf32, #tpu.memory_space<vmem>>
      %dma_wait3A_564 = arith.constant 0 : i32
      %dma_wait3A_565 = tpu.memref_slice %arg5[%run_scoped3A_542, %mul3A_541, %dma_wait3A_564] : memref<6x16384x32xf32, #tpu.memory_space<hbm>> -> memref<1x512x32xf32, #tpu.memory_space<hbm>>
      %dma_wait3A_566 = tpu.memref_squeeze %dma_wait3A_565 : memref<1x512x32xf32, #tpu.memory_space<hbm>> -> memref<512x32xf32, #tpu.memory_space<hbm>>
      %dma_wait3A_567 = arith.constant 0 : i32
      %dma_wait3A_568 = tpu.memref_slice %arg5[%run_scoped3A_542, %mul3A_541, %dma_wait3A_567] : memref<6x16384x32xf32, #tpu.memory_space<hbm>> -> memref<1x512x32xf32, #tpu.memory_space<hbm>>
      %dma_wait3A_569 = tpu.memref_squeeze %dma_wait3A_568 : memref<1x512x32xf32, #tpu.memory_space<hbm>> -> memref<512x32xf32, #tpu.memory_space<hbm>>
      %dma_wait3A_570 = arith.constant 0 : i32
      %dma_wait3A_571 = arith.constant 0 : i32
      %dma_wait3A_572 = tpu.memref_slice %arg7[%dma_wait3A_570, %dma_wait3A_571] : memref<3072x32xf32, #tpu.memory_space<vmem>> -> memref<512x32xf32, #tpu.memory_space<vmem>>
      tpu.wait_dma2 semaphore(%run_scoped3A_548 : memref<!tpu.dma_semaphore, #tpu.memory_space<semaphore_mem>>) src(%dma_wait3A_572 : memref<512x32xf32, #tpu.memory_space<vmem>>) dst(%dma_wait3A_569 : memref<512x32xf32, #tpu.memory_space<hbm>>)
      tpu.yield
    }) : () -> ()
    %run_scoped3A_543 = arith.constant 1 : i32
    "tpu.region"() ({
      %run_scoped3A_548 = tpu.sem_alloc : memref<!tpu.dma_semaphore, #tpu.memory_space<semaphore_mem>>
      %dma_start3A_549 = arith.constant 512 : i32
      %dma_start3A_550 = arith.constant 0 : i32
      %dma_start3A_551 = tpu.memref_slice %arg7[%dma_start3A_549, %dma_start3A_550] : memref<3072x32xf32, #tpu.memory_space<vmem>> -> memref<512x32xf32, #tpu.memory_space<vmem>>
      %dma_start3A_552 = arith.constant 0 : i32
      %dma_start3A_553 = tpu.memref_slice %arg5[%run_scoped3A_543, %mul3A_541, %dma_start3A_552] : memref<6x16384x32xf32, #tpu.memory_space<hbm>> -> memref<1x512x32xf32, #tpu.memory_space<hbm>>
      %dma_start3A_554 = tpu.memref_squeeze %dma_start3A_553 : memref<1x512x32xf32, #tpu.memory_space<hbm>> -> memref<512x32xf32, #tpu.memory_space<hbm>>
      %dma_start3A_555 = arith.constant 0 : i32
      %dma_start3A_556 = tpu.memref_slice %arg5[%run_scoped3A_543, %mul3A_541, %dma_start3A_555] : memref<6x16384x32xf32, #tpu.memory_space<hbm>> -> memref<1x512x32xf32, #tpu.memory_space<hbm>>
      %dma_start3A_557 = tpu.memref_squeeze %dma_start3A_556 : memref<1x512x32xf32, #tpu.memory_space<hbm>> -> memref<512x32xf32, #tpu.memory_space<hbm>>
      %dma_start3A_558 = arith.constant 512 : i32
      %dma_start3A_559 = arith.constant 0 : i32
      %dma_start3A_560 = tpu.memref_slice %arg7[%dma_start3A_558, %dma_start3A_559] : memref<3072x32xf32, #tpu.memory_space<vmem>> -> memref<512x32xf32, #tpu.memory_space<vmem>>
      tpu.enqueue_dma source(%dma_start3A_560 : memref<512x32xf32, #tpu.memory_space<vmem>>) target(%dma_start3A_557 : memref<512x32xf32, #tpu.memory_space<hbm>>) target_semaphore(%run_scoped3A_548 : memref<!tpu.dma_semaphore, #tpu.memory_space<semaphore_mem>>)
      %dma_wait3A_561 = arith.constant 512 : i32
      %dma_wait3A_562 = arith.constant 0 : i32
      %dma_wait3A_563 = tpu.memref_slice %arg7[%dma_wait3A_561, %dma_wait3A_562] : memref<3072x32xf32, #tpu.memory_space<vmem>> -> memref<512x32xf32, #tpu.memory_space<vmem>>
      %dma_wait3A_564 = arith.constant 0 : i32
      %dma_wait3A_565 = tpu.memref_slice %arg5[%run_scoped3A_543, %mul3A_541, %dma_wait3A_564] : memref<6x16384x32xf32, #tpu.memory_space<hbm>> -> memref<1x512x32xf32, #tpu.memory_space<hbm>>
      %dma_wait3A_566 = tpu.memref_squeeze %dma_wait3A_565 : memref<1x512x32xf32, #tpu.memory_space<hbm>> -> memref<512x32xf32, #tpu.memory_space<hbm>>
      %dma_wait3A_567 = arith.constant 0 : i32
      %dma_wait3A_568 = tpu.memref_slice %arg5[%run_scoped3A_543, %mul3A_541, %dma_wait3A_567] : memref<6x16384x32xf32, #tpu.memory_space<hbm>> -> memref<1x512x32xf32, #tpu.memory_space<hbm>>
      %dma_wait3A_569 = tpu.memref_squeeze %dma_wait3A_568 : memref<1x512x32xf32, #tpu.memory_space<hbm>> -> memref<512x32xf32, #tpu.memory_space<hbm>>
      %dma_wait3A_570 = arith.constant 512 : i32
      %dma_wait3A_571 = arith.constant 0 : i32
      %dma_wait3A_572 = tpu.memref_slice %arg7[%dma_wait3A_570, %dma_wait3A_571] : memref<3072x32xf32, #tpu.memory_space<vmem>> -> memref<512x32xf32, #tpu.memory_space<vmem>>
      tpu.wait_dma2 semaphore(%run_scoped3A_548 : memref<!tpu.dma_semaphore, #tpu.memory_space<semaphore_mem>>) src(%dma_wait3A_572 : memref<512x32xf32, #tpu.memory_space<vmem>>) dst(%dma_wait3A_569 : memref<512x32xf32, #tpu.memory_space<hbm>>)
      tpu.yield
    }) : () -> ()
    %run_scoped3A_544 = arith.constant 2 : i32
    "tpu.region"() ({
      %run_scoped3A_548 = tpu.sem_alloc : memref<!tpu.dma_semaphore, #tpu.memory_space<semaphore_mem>>
      %dma_start3A_549 = arith.constant 1024 : i32
      %dma_start3A_550 = arith.constant 0 : i32
      %dma_start3A_551 = tpu.memref_slice %arg7[%dma_start3A_549, %dma_start3A_550] : memref<3072x32xf32, #tpu.memory_space<vmem>> -> memref<512x32xf32, #tpu.memory_space<vmem>>
      %dma_start3A_552 = arith.constant 0 : i32
      %dma_start3A_553 = tpu.memref_slice %arg5[%run_scoped3A_544, %mul3A_541, %dma_start3A_552] : memref<6x16384x32xf32, #tpu.memory_space<hbm>> -> memref<1x512x32xf32, #tpu.memory_space<hbm>>
      %dma_start3A_554 = tpu.memref_squeeze %dma_start3A_553 : memref<1x512x32xf32, #tpu.memory_space<hbm>> -> memref<512x32xf32, #tpu.memory_space<hbm>>
      %dma_start3A_555 = arith.constant 0 : i32
      %dma_start3A_556 = tpu.memref_slice %arg5[%run_scoped3A_544, %mul3A_541, %dma_start3A_555] : memref<6x16384x32xf32, #tpu.memory_space<hbm>> -> memref<1x512x32xf32, #tpu.memory_space<hbm>>
      %dma_start3A_557 = tpu.memref_squeeze %dma_start3A_556 : memref<1x512x32xf32, #tpu.memory_space<hbm>> -> memref<512x32xf32, #tpu.memory_space<hbm>>
      %dma_start3A_558 = arith.constant 1024 : i32
      %dma_start3A_559 = arith.constant 0 : i32
      %dma_start3A_560 = tpu.memref_slice %arg7[%dma_start3A_558, %dma_start3A_559] : memref<3072x32xf32, #tpu.memory_space<vmem>> -> memref<512x32xf32, #tpu.memory_space<vmem>>
      tpu.enqueue_dma source(%dma_start3A_560 : memref<512x32xf32, #tpu.memory_space<vmem>>) target(%dma_start3A_557 : memref<512x32xf32, #tpu.memory_space<hbm>>) target_semaphore(%run_scoped3A_548 : memref<!tpu.dma_semaphore, #tpu.memory_space<semaphore_mem>>)
      %dma_wait3A_561 = arith.constant 1024 : i32
      %dma_wait3A_562 = arith.constant 0 : i32
      %dma_wait3A_563 = tpu.memref_slice %arg7[%dma_wait3A_561, %dma_wait3A_562] : memref<3072x32xf32, #tpu.memory_space<vmem>> -> memref<512x32xf32, #tpu.memory_space<vmem>>
      %dma_wait3A_564 = arith.constant 0 : i32
      %dma_wait3A_565 = tpu.memref_slice %arg5[%run_scoped3A_544, %mul3A_541, %dma_wait3A_564] : memref<6x16384x32xf32, #tpu.memory_space<hbm>> -> memref<1x512x32xf32, #tpu.memory_space<hbm>>
      %dma_wait3A_566 = tpu.memref_squeeze %dma_wait3A_565 : memref<1x512x32xf32, #tpu.memory_space<hbm>> -> memref<512x32xf32, #tpu.memory_space<hbm>>
      %dma_wait3A_567 = arith.constant 0 : i32
      %dma_wait3A_568 = tpu.memref_slice %arg5[%run_scoped3A_544, %mul3A_541, %dma_wait3A_567] : memref<6x16384x32xf32, #tpu.memory_space<hbm>> -> memref<1x512x32xf32, #tpu.memory_space<hbm>>
      %dma_wait3A_569 = tpu.memref_squeeze %dma_wait3A_568 : memref<1x512x32xf32, #tpu.memory_space<hbm>> -> memref<512x32xf32, #tpu.memory_space<hbm>>
      %dma_wait3A_570 = arith.constant 1024 : i32
      %dma_wait3A_571 = arith.constant 0 : i32
      %dma_wait3A_572 = tpu.memref_slice %arg7[%dma_wait3A_570, %dma_wait3A_571] : memref<3072x32xf32, #tpu.memory_space<vmem>> -> memref<512x32xf32, #tpu.memory_space<vmem>>
      tpu.wait_dma2 semaphore(%run_scoped3A_548 : memref<!tpu.dma_semaphore, #tpu.memory_space<semaphore_mem>>) src(%dma_wait3A_572 : memref<512x32xf32, #tpu.memory_space<vmem>>) dst(%dma_wait3A_569 : memref<512x32xf32, #tpu.memory_space<hbm>>)
      tpu.yield
    }) : () -> ()
    %run_scoped3A_545 = arith.constant 3 : i32
    "tpu.region"() ({
      %run_scoped3A_548 = tpu.sem_alloc : memref<!tpu.dma_semaphore, #tpu.memory_space<semaphore_mem>>
      %dma_start3A_549 = arith.constant 1536 : i32
      %dma_start3A_550 = arith.constant 0 : i32
      %dma_start3A_551 = tpu.memref_slice %arg7[%dma_start3A_549, %dma_start3A_550] : memref<3072x32xf32, #tpu.memory_space<vmem>> -> memref<512x32xf32, #tpu.memory_space<vmem>>
      %dma_start3A_552 = arith.constant 0 : i32
      %dma_start3A_553 = tpu.memref_slice %arg5[%run_scoped3A_545, %mul3A_541, %dma_start3A_552] : memref<6x16384x32xf32, #tpu.memory_space<hbm>> -> memref<1x512x32xf32, #tpu.memory_space<hbm>>
      %dma_start3A_554 = tpu.memref_squeeze %dma_start3A_553 : memref<1x512x32xf32, #tpu.memory_space<hbm>> -> memref<512x32xf32, #tpu.memory_space<hbm>>
      %dma_start3A_555 = arith.constant 0 : i32
      %dma_start3A_556 = tpu.memref_slice %arg5[%run_scoped3A_545, %mul3A_541, %dma_start3A_555] : memref<6x16384x32xf32, #tpu.memory_space<hbm>> -> memref<1x512x32xf32, #tpu.memory_space<hbm>>
      %dma_start3A_557 = tpu.memref_squeeze %dma_start3A_556 : memref<1x512x32xf32, #tpu.memory_space<hbm>> -> memref<512x32xf32, #tpu.memory_space<hbm>>
      %dma_start3A_558 = arith.constant 1536 : i32
      %dma_start3A_559 = arith.constant 0 : i32
      %dma_start3A_560 = tpu.memref_slice %arg7[%dma_start3A_558, %dma_start3A_559] : memref<3072x32xf32, #tpu.memory_space<vmem>> -> memref<512x32xf32, #tpu.memory_space<vmem>>
      tpu.enqueue_dma source(%dma_start3A_560 : memref<512x32xf32, #tpu.memory_space<vmem>>) target(%dma_start3A_557 : memref<512x32xf32, #tpu.memory_space<hbm>>) target_semaphore(%run_scoped3A_548 : memref<!tpu.dma_semaphore, #tpu.memory_space<semaphore_mem>>)
      %dma_wait3A_561 = arith.constant 1536 : i32
      %dma_wait3A_562 = arith.constant 0 : i32
      %dma_wait3A_563 = tpu.memref_slice %arg7[%dma_wait3A_561, %dma_wait3A_562] : memref<3072x32xf32, #tpu.memory_space<vmem>> -> memref<512x32xf32, #tpu.memory_space<vmem>>
      %dma_wait3A_564 = arith.constant 0 : i32
      %dma_wait3A_565 = tpu.memref_slice %arg5[%run_scoped3A_545, %mul3A_541, %dma_wait3A_564] : memref<6x16384x32xf32, #tpu.memory_space<hbm>> -> memref<1x512x32xf32, #tpu.memory_space<hbm>>
      %dma_wait3A_566 = tpu.memref_squeeze %dma_wait3A_565 : memref<1x512x32xf32, #tpu.memory_space<hbm>> -> memref<512x32xf32, #tpu.memory_space<hbm>>
      %dma_wait3A_567 = arith.constant 0 : i32
      %dma_wait3A_568 = tpu.memref_slice %arg5[%run_scoped3A_545, %mul3A_541, %dma_wait3A_567] : memref<6x16384x32xf32, #tpu.memory_space<hbm>> -> memref<1x512x32xf32, #tpu.memory_space<hbm>>
      %dma_wait3A_569 = tpu.memref_squeeze %dma_wait3A_568 : memref<1x512x32xf32, #tpu.memory_space<hbm>> -> memref<512x32xf32, #tpu.memory_space<hbm>>
      %dma_wait3A_570 = arith.constant 1536 : i32
      %dma_wait3A_571 = arith.constant 0 : i32
      %dma_wait3A_572 = tpu.memref_slice %arg7[%dma_wait3A_570, %dma_wait3A_571] : memref<3072x32xf32, #tpu.memory_space<vmem>> -> memref<512x32xf32, #tpu.memory_space<vmem>>
      tpu.wait_dma2 semaphore(%run_scoped3A_548 : memref<!tpu.dma_semaphore, #tpu.memory_space<semaphore_mem>>) src(%dma_wait3A_572 : memref<512x32xf32, #tpu.memory_space<vmem>>) dst(%dma_wait3A_569 : memref<512x32xf32, #tpu.memory_space<hbm>>)
      tpu.yield
    }) : () -> ()
    %run_scoped3A_546 = arith.constant 4 : i32
    "tpu.region"() ({
      %run_scoped3A_548 = tpu.sem_alloc : memref<!tpu.dma_semaphore, #tpu.memory_space<semaphore_mem>>
      %dma_start3A_549 = arith.constant 2048 : i32
      %dma_start3A_550 = arith.constant 0 : i32
      %dma_start3A_551 = tpu.memref_slice %arg7[%dma_start3A_549, %dma_start3A_550] : memref<3072x32xf32, #tpu.memory_space<vmem>> -> memref<512x32xf32, #tpu.memory_space<vmem>>
      %dma_start3A_552 = arith.constant 0 : i32
      %dma_start3A_553 = tpu.memref_slice %arg5[%run_scoped3A_546, %mul3A_541, %dma_start3A_552] : memref<6x16384x32xf32, #tpu.memory_space<hbm>> -> memref<1x512x32xf32, #tpu.memory_space<hbm>>
      %dma_start3A_554 = tpu.memref_squeeze %dma_start3A_553 : memref<1x512x32xf32, #tpu.memory_space<hbm>> -> memref<512x32xf32, #tpu.memory_space<hbm>>
      %dma_start3A_555 = arith.constant 0 : i32
      %dma_start3A_556 = tpu.memref_slice %arg5[%run_scoped3A_546, %mul3A_541, %dma_start3A_555] : memref<6x16384x32xf32, #tpu.memory_space<hbm>> -> memref<1x512x32xf32, #tpu.memory_space<hbm>>
      %dma_start3A_557 = tpu.memref_squeeze %dma_start3A_556 : memref<1x512x32xf32, #tpu.memory_space<hbm>> -> memref<512x32xf32, #tpu.memory_space<hbm>>
      %dma_start3A_558 = arith.constant 2048 : i32
      %dma_start3A_559 = arith.constant 0 : i32
      %dma_start3A_560 = tpu.memref_slice %arg7[%dma_start3A_558, %dma_start3A_559] : memref<3072x32xf32, #tpu.memory_space<vmem>> -> memref<512x32xf32, #tpu.memory_space<vmem>>
      tpu.enqueue_dma source(%dma_start3A_560 : memref<512x32xf32, #tpu.memory_space<vmem>>) target(%dma_start3A_557 : memref<512x32xf32, #tpu.memory_space<hbm>>) target_semaphore(%run_scoped3A_548 : memref<!tpu.dma_semaphore, #tpu.memory_space<semaphore_mem>>)
      %dma_wait3A_561 = arith.constant 2048 : i32
      %dma_wait3A_562 = arith.constant 0 : i32
      %dma_wait3A_563 = tpu.memref_slice %arg7[%dma_wait3A_561, %dma_wait3A_562] : memref<3072x32xf32, #tpu.memory_space<vmem>> -> memref<512x32xf32, #tpu.memory_space<vmem>>
      %dma_wait3A_564 = arith.constant 0 : i32
      %dma_wait3A_565 = tpu.memref_slice %arg5[%run_scoped3A_546, %mul3A_541, %dma_wait3A_564] : memref<6x16384x32xf32, #tpu.memory_space<hbm>> -> memref<1x512x32xf32, #tpu.memory_space<hbm>>
      %dma_wait3A_566 = tpu.memref_squeeze %dma_wait3A_565 : memref<1x512x32xf32, #tpu.memory_space<hbm>> -> memref<512x32xf32, #tpu.memory_space<hbm>>
      %dma_wait3A_567 = arith.constant 0 : i32
      %dma_wait3A_568 = tpu.memref_slice %arg5[%run_scoped3A_546, %mul3A_541, %dma_wait3A_567] : memref<6x16384x32xf32, #tpu.memory_space<hbm>> -> memref<1x512x32xf32, #tpu.memory_space<hbm>>
      %dma_wait3A_569 = tpu.memref_squeeze %dma_wait3A_568 : memref<1x512x32xf32, #tpu.memory_space<hbm>> -> memref<512x32xf32, #tpu.memory_space<hbm>>
      %dma_wait3A_570 = arith.constant 2048 : i32
      %dma_wait3A_571 = arith.constant 0 : i32
      %dma_wait3A_572 = tpu.memref_slice %arg7[%dma_wait3A_570, %dma_wait3A_571] : memref<3072x32xf32, #tpu.memory_space<vmem>> -> memref<512x32xf32, #tpu.memory_space<vmem>>
      tpu.wait_dma2 semaphore(%run_scoped3A_548 : memref<!tpu.dma_semaphore, #tpu.memory_space<semaphore_mem>>) src(%dma_wait3A_572 : memref<512x32xf32, #tpu.memory_space<vmem>>) dst(%dma_wait3A_569 : memref<512x32xf32, #tpu.memory_space<hbm>>)
      tpu.yield
    }) : () -> ()
    %run_scoped3A_547 = arith.constant 5 : i32
    "tpu.region"() ({
      %run_scoped3A_548 = tpu.sem_alloc : memref<!tpu.dma_semaphore, #tpu.memory_space<semaphore_mem>>
      %dma_start3A_549 = arith.constant 2560 : i32
      %dma_start3A_550 = arith.constant 0 : i32
      %dma_start3A_551 = tpu.memref_slice %arg7[%dma_start3A_549, %dma_start3A_550] : memref<3072x32xf32, #tpu.memory_space<vmem>> -> memref<512x32xf32, #tpu.memory_space<vmem>>
      %dma_start3A_552 = arith.constant 0 : i32
      %dma_start3A_553 = tpu.memref_slice %arg5[%run_scoped3A_547, %mul3A_541, %dma_start3A_552] : memref<6x16384x32xf32, #tpu.memory_space<hbm>> -> memref<1x512x32xf32, #tpu.memory_space<hbm>>
      %dma_start3A_554 = tpu.memref_squeeze %dma_start3A_553 : memref<1x512x32xf32, #tpu.memory_space<hbm>> -> memref<512x32xf32, #tpu.memory_space<hbm>>
      %dma_start3A_555 = arith.constant 0 : i32
      %dma_start3A_556 = tpu.memref_slice %arg5[%run_scoped3A_547, %mul3A_541, %dma_start3A_555] : memref<6x16384x32xf32, #tpu.memory_space<hbm>> -> memref<1x512x32xf32, #tpu.memory_space<hbm>>
      %dma_start3A_557 = tpu.memref_squeeze %dma_start3A_556 : memref<1x512x32xf32, #tpu.memory_space<hbm>> -> memref<512x32xf32, #tpu.memory_space<hbm>>
      %dma_start3A_558 = arith.constant 2560 : i32
      %dma_start3A_559 = arith.constant 0 : i32
      %dma_start3A_560 = tpu.memref_slice %arg7[%dma_start3A_558, %dma_start3A_559] : memref<3072x32xf32, #tpu.memory_space<vmem>> -> memref<512x32xf32, #tpu.memory_space<vmem>>
      tpu.enqueue_dma source(%dma_start3A_560 : memref<512x32xf32, #tpu.memory_space<vmem>>) target(%dma_start3A_557 : memref<512x32xf32, #tpu.memory_space<hbm>>) target_semaphore(%run_scoped3A_548 : memref<!tpu.dma_semaphore, #tpu.memory_space<semaphore_mem>>)
      %dma_wait3A_561 = arith.constant 2560 : i32
      %dma_wait3A_562 = arith.constant 0 : i32
      %dma_wait3A_563 = tpu.memref_slice %arg7[%dma_wait3A_561, %dma_wait3A_562] : memref<3072x32xf32, #tpu.memory_space<vmem>> -> memref<512x32xf32, #tpu.memory_space<vmem>>
      %dma_wait3A_564 = arith.constant 0 : i32
      %dma_wait3A_565 = tpu.memref_slice %arg5[%run_scoped3A_547, %mul3A_541, %dma_wait3A_564] : memref<6x16384x32xf32, #tpu.memory_space<hbm>> -> memref<1x512x32xf32, #tpu.memory_space<hbm>>
      %dma_wait3A_566 = tpu.memref_squeeze %dma_wait3A_565 : memref<1x512x32xf32, #tpu.memory_space<hbm>> -> memref<512x32xf32, #tpu.memory_space<hbm>>
      %dma_wait3A_567 = arith.constant 0 : i32
      %dma_wait3A_568 = tpu.memref_slice %arg5[%run_scoped3A_547, %mul3A_541, %dma_wait3A_567] : memref<6x16384x32xf32, #tpu.memory_space<hbm>> -> memref<1x512x32xf32, #tpu.memory_space<hbm>>
      %dma_wait3A_569 = tpu.memref_squeeze %dma_wait3A_568 : memref<1x512x32xf32, #tpu.memory_space<hbm>> -> memref<512x32xf32, #tpu.memory_space<hbm>>
      %dma_wait3A_570 = arith.constant 2560 : i32
      %dma_wait3A_571 = arith.constant 0 : i32
      %dma_wait3A_572 = tpu.memref_slice %arg7[%dma_wait3A_570, %dma_wait3A_571] : memref<3072x32xf32, #tpu.memory_space<vmem>> -> memref<512x32xf32, #tpu.memory_space<vmem>>
      tpu.wait_dma2 semaphore(%run_scoped3A_548 : memref<!tpu.dma_semaphore, #tpu.memory_space<semaphore_mem>>) src(%dma_wait3A_572 : memref<512x32xf32, #tpu.memory_space<vmem>>) dst(%dma_wait3A_569 : memref<512x32xf32, #tpu.memory_space<hbm>>)
      tpu.yield
    }) : () -> ()
    return
  }
}

module attributes {stable_mosaic.version = 14 : i64} {
  func.func @_tc_body(%arg0: i32, %arg1: memref<6x2048x32xf32, #tpu.memory_space<vmem>>, %arg2: memref<2048xf32, #tpu.memory_space<vmem>>, %arg3: memref<2048xf32, #tpu.memory_space<vmem>>, %arg4: memref<1x1xf32, #tpu.memory_space<vmem>>) attributes {dimension_semantics = [#tpu.dimension_semantics<arbitrary>], iteration_bounds = array<i64: 8>, scalar_prefetch = 0 : i64, scratch_operands = 0 : i64, tpu.core_type = #tpu.core_type<tc>, window_params = [{transform_indices = @transform_0, window_bounds = array<i64: 6, 2048, 32>}, {transform_indices = @transform_1, window_bounds = array<i64: 2048>}, {transform_indices = @transform_2, window_bounds = array<i64: 2048>}, {pipeline_mode = #tpu.pipeline_mode<synchronous>, transform_indices = @transform_3, window_bounds = array<i64: 1, 1>}]} {
    %get3A = arith.constant 0 : index
    %get3A_0 = arith.constant 0 : index
    %get3A_1 = arith.constant 0 : index
    %get3A_2 = vector.load %arg1[%get3A, %get3A_0, %get3A_1] : memref<6x2048x32xf32, #tpu.memory_space<vmem>>, vector<6x2048x32xf32>
    %slice3A = vector.extract_strided_slice %get3A_2 {offsets = [0, 0, 0], sizes = [1, 2048, 32], strides = [1, 1, 1]} : vector<6x2048x32xf32> to vector<1x2048x32xf32>
    %squeeze3A = vector.shape_cast %slice3A : vector<1x2048x32xf32> to vector<2048x32xf32>
    %slice3A_3 = vector.extract_strided_slice %get3A_2 {offsets = [1, 0, 0], sizes = [1, 2048, 32], strides = [1, 1, 1]} : vector<6x2048x32xf32> to vector<1x2048x32xf32>
    %squeeze3A_4 = vector.shape_cast %slice3A_3 : vector<1x2048x32xf32> to vector<2048x32xf32>
    %slice3A_5 = vector.extract_strided_slice %get3A_2 {offsets = [2, 0, 0], sizes = [1, 2048, 32], strides = [1, 1, 1]} : vector<6x2048x32xf32> to vector<1x2048x32xf32>
    %squeeze3A_6 = vector.shape_cast %slice3A_5 : vector<1x2048x32xf32> to vector<2048x32xf32>
    %mul3A = arith.mulf %squeeze3A, %squeeze3A : vector<2048x32xf32>
    %reduce_sum3A = arith.constant dense<0.000000e+00> : vector<2048xf32>
    %reduce_sum3A_7 = vector.multi_reduction <add>, %mul3A, %reduce_sum3A [1] : vector<2048x32xf32> to vector<2048xf32>
    %broadcast_in_dim3A = vector.shape_cast %reduce_sum3A_7 : vector<2048xf32> to vector<2048x1xf32>
    %sqrt3A = math.sqrt %broadcast_in_dim3A : vector<2048x1xf32>
    %div3A = vector.broadcast %sqrt3A : vector<2048x1xf32> to vector<2048x32xf32>
    %div3A_8 = arith.divf %squeeze3A, %div3A : vector<2048x32xf32>
    %mul3A_9 = arith.mulf %squeeze3A_6, %squeeze3A_6 : vector<2048x32xf32>
    %reduce_sum3A_10 = arith.constant dense<0.000000e+00> : vector<2048xf32>
    %reduce_sum3A_11 = vector.multi_reduction <add>, %mul3A_9, %reduce_sum3A_10 [1] : vector<2048x32xf32> to vector<2048xf32>
    %broadcast_in_dim3A_12 = vector.shape_cast %reduce_sum3A_11 : vector<2048xf32> to vector<2048x1xf32>
    %sqrt3A_13 = math.sqrt %broadcast_in_dim3A_12 : vector<2048x1xf32>
    %div3A_14 = vector.broadcast %sqrt3A_13 : vector<2048x1xf32> to vector<2048x32xf32>
    %div3A_15 = arith.divf %squeeze3A_6, %div3A_14 : vector<2048x32xf32>
    %abs3A = math.absf %squeeze3A_4 : vector<2048x32xf32>
    %reduce_sum3A_16 = arith.constant dense<0.000000e+00> : vector<2048xf32>
    %reduce_sum3A_17 = vector.multi_reduction <add>, %abs3A, %reduce_sum3A_16 [1] : vector<2048x32xf32> to vector<2048xf32>
    %broadcast_in_dim3A_18 = vector.shape_cast %reduce_sum3A_17 : vector<2048xf32> to vector<2048x1xf32>
    %div3A_19 = vector.broadcast %broadcast_in_dim3A_18 : vector<2048x1xf32> to vector<2048x32xf32>
    %div3A_20 = arith.divf %squeeze3A_4, %div3A_19 : vector<2048x32xf32>
    %add3A = arith.addf %div3A_8, %div3A_20 : vector<2048x32xf32>
    %sub3A = arith.subf %add3A, %div3A_15 : vector<2048x32xf32>
    %abs3A_21 = math.absf %sub3A : vector<2048x32xf32>
    %reduce_sum3A_22 = arith.constant dense<0.000000e+00> : vector<2048xf32>
    %reduce_sum3A_23 = vector.multi_reduction <add>, %abs3A_21, %reduce_sum3A_22 [1] : vector<2048x32xf32> to vector<2048xf32>
    %slice3A_24 = vector.extract_strided_slice %get3A_2 {offsets = [3, 0, 0], sizes = [1, 2048, 32], strides = [1, 1, 1]} : vector<6x2048x32xf32> to vector<1x2048x32xf32>
    %squeeze3A_25 = vector.shape_cast %slice3A_24 : vector<1x2048x32xf32> to vector<2048x32xf32>
    %slice3A_26 = vector.extract_strided_slice %get3A_2 {offsets = [4, 0, 0], sizes = [1, 2048, 32], strides = [1, 1, 1]} : vector<6x2048x32xf32> to vector<1x2048x32xf32>
    %squeeze3A_27 = vector.shape_cast %slice3A_26 : vector<1x2048x32xf32> to vector<2048x32xf32>
    %slice3A_28 = vector.extract_strided_slice %get3A_2 {offsets = [5, 0, 0], sizes = [1, 2048, 32], strides = [1, 1, 1]} : vector<6x2048x32xf32> to vector<1x2048x32xf32>
    %squeeze3A_29 = vector.shape_cast %slice3A_28 : vector<1x2048x32xf32> to vector<2048x32xf32>
    %mul3A_30 = arith.mulf %squeeze3A_25, %squeeze3A_25 : vector<2048x32xf32>
    %reduce_sum3A_31 = arith.constant dense<0.000000e+00> : vector<2048xf32>
    %reduce_sum3A_32 = vector.multi_reduction <add>, %mul3A_30, %reduce_sum3A_31 [1] : vector<2048x32xf32> to vector<2048xf32>
    %broadcast_in_dim3A_33 = vector.shape_cast %reduce_sum3A_32 : vector<2048xf32> to vector<2048x1xf32>
    %sqrt3A_34 = math.sqrt %broadcast_in_dim3A_33 : vector<2048x1xf32>
    %div3A_35 = vector.broadcast %sqrt3A_34 : vector<2048x1xf32> to vector<2048x32xf32>
    %div3A_36 = arith.divf %squeeze3A_25, %div3A_35 : vector<2048x32xf32>
    %mul3A_37 = arith.mulf %squeeze3A_29, %squeeze3A_29 : vector<2048x32xf32>
    %reduce_sum3A_38 = arith.constant dense<0.000000e+00> : vector<2048xf32>
    %reduce_sum3A_39 = vector.multi_reduction <add>, %mul3A_37, %reduce_sum3A_38 [1] : vector<2048x32xf32> to vector<2048xf32>
    %broadcast_in_dim3A_40 = vector.shape_cast %reduce_sum3A_39 : vector<2048xf32> to vector<2048x1xf32>
    %sqrt3A_41 = math.sqrt %broadcast_in_dim3A_40 : vector<2048x1xf32>
    %div3A_42 = vector.broadcast %sqrt3A_41 : vector<2048x1xf32> to vector<2048x32xf32>
    %div3A_43 = arith.divf %squeeze3A_29, %div3A_42 : vector<2048x32xf32>
    %abs3A_44 = math.absf %squeeze3A_27 : vector<2048x32xf32>
    %reduce_sum3A_45 = arith.constant dense<0.000000e+00> : vector<2048xf32>
    %reduce_sum3A_46 = vector.multi_reduction <add>, %abs3A_44, %reduce_sum3A_45 [1] : vector<2048x32xf32> to vector<2048xf32>
    %broadcast_in_dim3A_47 = vector.shape_cast %reduce_sum3A_46 : vector<2048xf32> to vector<2048x1xf32>
    %div3A_48 = vector.broadcast %broadcast_in_dim3A_47 : vector<2048x1xf32> to vector<2048x32xf32>
    %div3A_49 = arith.divf %squeeze3A_27, %div3A_48 : vector<2048x32xf32>
    %add3A_50 = arith.addf %div3A_36, %div3A_49 : vector<2048x32xf32>
    %sub3A_51 = arith.subf %add3A_50, %div3A_43 : vector<2048x32xf32>
    %abs3A_52 = math.absf %sub3A_51 : vector<2048x32xf32>
    %reduce_sum3A_53 = arith.constant dense<0.000000e+00> : vector<2048xf32>
    %reduce_sum3A_54 = vector.multi_reduction <add>, %abs3A_52, %reduce_sum3A_53 [1] : vector<2048x32xf32> to vector<2048xf32>
    %swap3A = arith.constant 0 : index
    %swap3A_55 = vector.load %arg2[%swap3A] : memref<2048xf32, #tpu.memory_space<vmem>>, vector<2048xf32>
    tpu.vector_store %arg2[%swap3A], %reduce_sum3A_23 {strides = array<i32>} : memref<2048xf32, #tpu.memory_space<vmem>>, vector<2048xf32>,
    %swap3A_56 = arith.constant 0 : index
    %swap3A_57 = vector.load %arg3[%swap3A_56] : memref<2048xf32, #tpu.memory_space<vmem>>, vector<2048xf32>
    tpu.vector_store %arg3[%swap3A_56], %reduce_sum3A_54 {strides = array<i32>} : memref<2048xf32, #tpu.memory_space<vmem>>, vector<2048xf32>,
    %sub3A_58 = arith.subf %reduce_sum3A_23, %reduce_sum3A_54 : vector<2048xf32>
    %add3A_59 = arith.constant 1.000000e+00 : f32
    %add3A_60 = vector.broadcast %add3A_59 : f32 to vector<2048xf32>
    %add3A_61 = arith.addf %sub3A_58, %add3A_60 : vector<2048xf32>
    %max3A = arith.constant 0.000000e+00 : f32
    %max3A_62 = vector.broadcast %max3A : f32 to vector<2048xf32>
    %max3A_63 = arith.maximumf %add3A_61, %max3A_62 : vector<2048xf32>
    %reduce_sum3A_64 = vector.shape_cast %max3A_63 : vector<2048xf32> to vector<1x2048xf32>
    %reduce_sum3A_65 = arith.constant dense<0.000000e+00> : vector<1xf32>
    %reduce_sum3A_66 = vector.multi_reduction <add>, %reduce_sum3A_64, %reduce_sum3A_65 [1] : vector<1x2048xf32> to vector<1xf32>
    %reduce_sum3A_67 = vector.shape_cast %reduce_sum3A_66 : vector<1xf32> to vector<1x1xf32>
    %reduce_sum3A_68 = vector.extract %reduce_sum3A_67[0, 0] : f32 from vector<1x1xf32>
    %reshape3A = vector.broadcast %reduce_sum3A_68 : f32 to vector<1x1xf32>
    %eq3A = arith.constant 0 : i32
    %eq3A_69 = arith.cmpi eq, %arg0, %eq3A : i32
    %convert_element_type3A = arith.extui %eq3A_69 : i1 to i32
    %cond3A = arith.constant 0 : i32
    %cond3A_70 = arith.cmpi ne, %convert_element_type3A, %cond3A : i32
    scf.if %cond3A_70 {
      %swap3A_75 = arith.constant 0 : index
      %swap3A_76 = arith.constant 0 : index
      %swap3A_77 = vector.load %arg4[%swap3A_75, %swap3A_76] : memref<1x1xf32, #tpu.memory_space<vmem>>, vector<1x1xf32>
      tpu.vector_store %arg4[%swap3A_75, %swap3A_76], %reshape3A {strides = array<i32>} : memref<1x1xf32, #tpu.memory_space<vmem>>, vector<1x1xf32>,
    } else {
    }
    %gt3A = arith.constant 0 : i32
    %gt3A_71 = arith.cmpi sgt, %arg0, %gt3A : i32
    %convert_element_type3A_72 = arith.extui %gt3A_71 : i1 to i32
    %cond3A_73 = arith.constant 0 : i32
    %cond3A_74 = arith.cmpi ne, %convert_element_type3A_72, %cond3A_73 : i32
    scf.if %cond3A_74 {
      %get3A_75 = arith.constant 0 : index
      %get3A_76 = arith.constant 0 : index
      %get3A_77 = vector.load %arg4[%get3A_75, %get3A_76] : memref<1x1xf32, #tpu.memory_space<vmem>>, vector<1x1xf32>
      %add3A_78 = arith.addf %get3A_77, %reshape3A : vector<1x1xf32>
      %swap3A_79 = arith.constant 0 : index
      %swap3A_80 = arith.constant 0 : index
      %swap3A_81 = vector.load %arg4[%swap3A_79, %swap3A_80] : memref<1x1xf32, #tpu.memory_space<vmem>>, vector<1x1xf32>
      tpu.vector_store %arg4[%swap3A_79, %swap3A_80], %add3A_78 {strides = array<i32>} : memref<1x1xf32, #tpu.memory_space<vmem>>, vector<1x1xf32>,
    } else {
    }
    return
  }
  func.func @transform_0(%arg0: i32) -> (i32, i32, i32) {
    %c0_i32 = arith.constant 0 : i32
    %c0_i32_0 = arith.constant 0 : i32
    %c0_i32_1 = arith.constant 0 : i32
    return %c0_i32, %arg0, %c0_i32_0 : i32, i32, i32
  }
  func.func @transform_1(%arg0: i32) -> i32 {
    %c0_i32 = arith.constant 0 : i32
    return %arg0 : i32
  }
  func.func @transform_2(%arg0: i32) -> i32 {
    %c0_i32 = arith.constant 0 : i32
    return %arg0 : i32
  }
  func.func @transform_3(%arg0: i32) -> (i32, i32) {
    %c0_i32 = arith.constant 0 : i32
    %c0_i32_0 = arith.constant 0 : i32
    %c0_i32_1 = arith.constant 0 : i32
    return %c0_i32, %c0_i32_0 : i32, i32
  }
}

</mosaic_0001>

<sc_bundles>
// kernel: kernel.4.cloned.1.call-start
scs
__scs_entry_jumppad:
0x0: {  	(pc) =	sbr.rel $0x88, $3  }
0x1: {  	(tag) =	ssettag $0x0;
	lr =	simm.s32 $0x1  }
0x2: {  	[smem:$0x3F9D] =	sst lr;
	_ =	strace $0xD0000000  }
0x3: {  	_ = 	snop  }
0x4: {  	_ = 	snop  }
0x5: {  	_ = 	snop  }
0x6: {  	_ = 	snop  }
0x7: {  	_ = 	snop  }
__scs_overlays_trampoline_lowered:
0x8: {  	[smem:$0x3FAC] =	sst s0  }
0x9: {  	[smem:$0x3FAD] =	sst s1  }
0xa: {  	[smem:$0x3FAE] =	sst s2  }
0xb: {  	[smem:$0x3FAF] =	sst s3  }
0xc: {  	[smem:$0x3FB0] =	sst s4  }
0xd: {  	[smem:$0x3FB1] =	sst s5  }
0xe: {  	[smem:$0x3FB2] =	sst s6  }
0xf: {  	[smem:$0x3FB3] =	sst s7  }
0x10: {  	[smem:$0x3FB4] =	sst s8  }
0x11: {  	[smem:$0x3FB5] =	sst s9;
	s0 =	simm.s32 @!p0 $0x0  }
0x12: {  	s1 =	sld [smem:$0x3F9B];
	s0 =	simm.s32 @p0 $0x1  }
0x13: {  	[smem:$0x3FB6] =	sst s0;
	s0 =	simm.s32 @!p1 $0x0  }
0x14: {  	s2 =	sld [smem:$0x3F9A];
	s0 =	simm.s32 @p1 $0x1  }
0x15: {  	[smem:$0x3FB7] =	sst s0;
	s0 =	simm.s32 @!p2 $0x0  }
0x16: {  	s3 =	sld [smem:$0x3FDB];
	s0 =	simm.s32 @p2 $0x1  }
0x17: {  	s4 =	simm.s32 $0x1BF5;
	[smem:$0x3FB9] =	sst s0  }
0x18: {  	s0 =	sld [smem:$0x3F9C];
	_ =	swait.ge [sflag:s4], $0x0  }
0x19: {  	s7 =	sld [smem:$0x3F9D]  }
0x1a: {  	s8 =	sadd.s32 $0xFFFFE003, lr  }
0x1b: {  	s9 =	sadd.s32 $0xFFFFFEF7, lr;
	s5 =	simm.s32 $0xFFFFFFFF;
	p2 =	slt.u32 s8, $0xFFFFF086  }
0x1c: {  	p1 =	slt.u32 s9, $0xF7A;
	s5 =	simm.s32 @!p2 $0x0  }
0x1d: {  	s5 =	simm.s32 @p1 $0x1;
	p0 =	seq.s32 s7, s2  }
0x1e: {  	s7 =	smul.u32 @!p0 $0xF7A, s2;
	p2 =	seq.s32 @!p0 s5, $0x0  }
0x1f: {  	s9 =	smul.u32 $0xF7A, s1;
	s8 =	simm.s32 @!p0 $0x1BF5;
	p2 =	por !p2, p0  }
0x20: {  	[sflag:s8] =	ssyncset.s32 @!p0 $0xFFFFF086;
	s6 =	sadd.s32 @!p0 s3, s7;
	s7 =	simm.s32 @!p0 $0x108  }
0x21: {  	s3 =	sadd.s32 s3, s9;
	s6 =	sadd.s32 @!p0 $0x88, s6;
	s7 =	simm.s32 @p2 $0x1082  }
0x22: {  	[simem:s7], [sflag:s8] =	dma.local @!p0 [hbm:s6], $0xF7A  }
0x23: {  	s9 =	sor.u32 $0xD0000000, s2;
	s6 =	simm.s32 $0x108;
	_ =	swait.ge @!p0 [sflag:s8], $0x0  }
0x24: {  	s3 =	sadd.s32 $0x88, s3;
	s6 =	simm.s32 @!p1 $0x1082;
	[sflag:s4] =	ssyncset.s32 $0xFFFFF086  }
0x25: {  	[simem:s6], [sflag:s4] =	dma.local [hbm:s3], $0xF7A  }
0x26: {  	[smem:$0x3F9D] =	sst s1;
	(tag) =	ssettag s2;
	_ =	strace s9  }
0x27: {  	s1 =	sld [smem:$0x3FAD]  }
0x28: {  	s2 =	sld [smem:$0x3FAE]  }
0x29: {  	s4 =	sld [smem:$0x3FB0]  }
0x2a: {  	p0 =	seq.s32 s5, $0x0;
	s5 =	sld [smem:$0x3FB1]  }
0x2b: {  	s6 =	sld [smem:$0x3FB2]  }
0x2c: {  	s7 =	sld [smem:$0x3FB3]  }
0x2d: {  	s3 =	simm.s32 $0x108;
	s8 =	sld [smem:$0x3FB4]  }
0x2e: {  	s3 =	simm.s32 @!p0 $0x1082;
	s9 =	sld [smem:$0x3FB5]  }
0x2f: {  	lr =	sadd.s32 s0, s3;
	s0 =	sld [smem:$0x3FAC]  }
0x30: {  	s3 =	sld [smem:$0x3FAF]  }
0x31: {  	[smem:$0x3FB8] =	sst s10  }
0x32: {  	s10 =	sld [smem:$0x3FB6];
	_ =	sdelay $0x3  }
0x33: {  	p0 =	seq.s32 s10, $0x1;
	s10 =	sld [smem:$0x3FB8];
	_ =	sdelay $0x3  }
0x34: {  	[smem:$0x3FB8] =	sst s10  }
0x35: {  	s10 =	sld [smem:$0x3FB7];
	_ =	sdelay $0x3  }
0x36: {  	p1 =	seq.s32 s10, $0x1;
	s10 =	sld [smem:$0x3FB8];
	_ =	sdelay $0x3  }
0x37: {  	[smem:$0x3FB8] =	sst s10  }
0x38: {  	s10 =	sld [smem:$0x3FB9]  }
0x39: {  	_ = 	snop;
	(pc) =	sbr.ind lr, $3  }
0x3a: {  	_ = 	snop  }
0x3b: {  	_ = 	snop  }
0x3c: {  	p2 =	seq.s32 s10, $0x1;
	s10 =	sld [smem:$0x3FB8]  }
0x3d: {  	_ =	shalt  }
0x3e: {  	_ =	shalt  }
0x3f: {  	_ =	shalt  }
0x40: {  	_ =	shalt  }
0x41: {  	_ =	shalt  }
0x42: {  	_ =	shalt  }
0x43: {  	_ =	shalt  }
0x44: {  	_ =	shalt  }
0x45: {  	_ =	shalt  }
0x46: {  	_ =	shalt  }
0x47: {  	_ =	shalt  }
0x48: {  	_ =	shalt  }
0x49: {  	_ =	shalt  }
0x4a: {  	_ =	shalt  }
0x4b: {  	_ =	shalt  }
0x4c: {  	_ =	shalt  }
0x4d: {  	_ =	shalt  }
0x4e: {  	_ =	shalt  }
0x4f: {  	_ =	shalt  }
0x50: {  	_ =	shalt  }
0x51: {  	_ =	shalt  }
0x52: {  	_ =	shalt  }
0x53: {  	_ =	shalt  }
0x54: {  	_ =	shalt  }
0x55: {  	_ =	shalt  }
0x56: {  	_ =	shalt  }
0x57: {  	_ =	shalt  }
0x58: {  	_ =	shalt  }
0x59: {  	_ =	shalt  }
0x5a: {  	_ =	shalt  }
0x5b: {  	_ =	shalt  }
0x5c: {  	_ =	shalt  }
0x5d: {  	_ =	shalt  }
0x5e: {  	_ =	shalt  }
0x5f: {  	_ =	shalt  }
0x60: {  	_ =	shalt  }
0x61: {  	_ =	shalt  }
0x62: {  	_ =	shalt  }
0x63: {  	_ =	shalt  }
0x64: {  	_ =	shalt  }
0x65: {  	_ =	shalt  }
0x66: {  	_ =	shalt  }
0x67: {  	_ =	shalt  }
0x68: {  	_ =	shalt  }
0x69: {  	_ =	shalt  }
0x6a: {  	_ =	shalt  }
0x6b: {  	_ =	shalt  }
0x6c: {  	_ =	shalt  }
0x6d: {  	_ =	shalt  }
0x6e: {  	_ =	shalt  }
0x6f: {  	_ =	shalt  }
0x70: {  	_ =	shalt  }
0x71: {  	_ =	shalt  }
0x72: {  	_ =	shalt  }
0x73: {  	_ =	shalt  }
0x74: {  	_ =	shalt  }
0x75: {  	_ =	shalt  }
0x76: {  	_ =	shalt  }
0x77: {  	_ =	shalt  }
0x78: {  	_ =	shalt  }
0x79: {  	_ =	shalt  }
0x7a: {  	_ =	shalt  }
0x7b: {  	_ =	shalt  }
0x7c: {  	_ =	shalt  }
0x7d: {  	_ =	shalt  }
0x7e: {  	_ =	shalt  }
0x7f: {  	_ =	shalt  }
0x80: {  	_ =	shalt  }
0x81: {  	_ =	shalt  }
0x82: {  	_ =	shalt  }
0x83: {  	_ =	shalt  }
0x84: {  	_ =	shalt  }
0x85: {  	_ =	shalt  }
0x86: {  	_ =	shalt  }
0x87: {  	_ =	shalt  }
.Lfunc_end0:
.L_simem_size_0:
called_computation_lowered:
.L_overlay_start_0:
0x88: {  	s2 =	sld [smem:$0x3FD9]  }
0x89: {  	s3 =	sld [smem:$0x3FFE];
	_ =	sdelay $0x1  }
0x8a: {  	s1 =	srdreg.scid  }
0x8b: {  	s0 =	sand.u32 $0x1, s1  }
0x8c: {  	s16 =	sshll.u32 s0, $0xA;
	s2 =	sadd.s32 s3, s2  }
0x8d: {  	s2 =	sadd.s32 s2, s16  }
0x8e: {  	[smem:$0x3FC4] =	sst s2  }
0x8f: {  	_ = 	snop  }
0x90: {  	(tm) =	ssettm $0x1  }
0x91: {  	s17 =	sld [smem:$0x3FFB];
	_ =	sdelay $0x3  }
0x92: {  	_ =	strace s17  }
0x93: {  	s2 =	sld [smem:$0x3FFC];
	_ =	sdelay $0x3  }
0x94: {  	_ =	strace s2  }
0x95: {  	s2 =	sld [smem:$0x3FFD];
	_ =	sdelay $0x3  }
0x96: {  	_ =	strace s2  }
0x97: {  	_ =	strace $0x8FFFFFFF  }
0x98: {  	s18 =	sld [smem:$0x3FDB];
	_ =	sdelay $0x1  }
0x99: {  	s19 =	simm.s32 $_scs_section_size  }
0x9a: {  	s4 =	simm.s32 $_size__tile_overlayer_lowered;
	s5 =	simm.s32 $_tile_overlayer_lowered  }
0x9b: {  	s22 =	simm.s32 $0x1BFF;
	s21 =	sshll.u32 s5, $0x1;
	s2 =	sadd.s32 s19, s18  }
0x9c: {  	s6 =	simm.s32 $0x0;
	s20 =	sshll.u32 s4, $0x1;
	s4 =	sadd.s32 s21, s2  }
0x9d: {  	[timem:s6], [sflag:s22] =	dma.local [hbm:s4], s20  }
0x9e: {  	_ =	swait.ge [sflag:s22], s20  }
0x9f: {  	s3 =	ssub.s32 $0x0, s20;
	[sflag:s22] =	ssyncset.done $0x0  }
0xa0: {  	[sflag:s22] =	ssyncadd.s32 s3;
	_ =	sdelay $0x1  }
0xa1: {  	s23 =	simm.s32 $0x1B8B  }
0xa2: {  	_ =	swait.ge [sflag:s23], $0x1  }
0xa3: {  	[sflag:s23] =	ssyncset.done $0x0  }
0xa4: {  	s25 =	simm.s32 $0x1B8E;
	s24 =	sld [smem:$0x3FFE];
	[sflag:s23] =	ssyncadd.s32 $0xFFFFFFFF  }
0xa5: {  	s26 =	simm.s32 $execute0_lowered;
	[smem:$0x3FD2] =	sst s25  }
0xa6: {  	s4 =	sshll.u32 s26, $0x1;
	_ =	strace $0x80000046;
	[dreg:$0x1] =	wrdreg $0xFFFFFFFF  }
0xa7: {  	s28 =	simm.s32 $_size_execute0_lowered;
	s2 =	sadd.s32 s2, s4;
	[dreg:$0x0] =	wrdreg $0x0  }
0xa8: {  	s4 =	sshll.u32 s28, $0x1;
	[dreg:$0x2] =	wrdreg s2  }
0xa9: {  	[dreg:$0x3] =	wrdreg s4  }
0xaa: {  	[dreg:$0x4] =	wrdreg $0xC0  }
0xab: {  	_ =	task [dreg:s6], $0x5FFFF  }
0xac: {  	[dreg:$0x1] =	wrdreg $0xFFFFFFFF  }
0xad: {  	[dreg:$0x0] =	wrdreg $0x60  }
0xae: {  	[dreg:$0x2] =	wrdreg s24  }
0xaf: {  	[dreg:$0x3] =	wrdreg $0x9  }
0xb0: {  	_ =	task.clear_ibuf [dreg:s6], $0x4FFFF;
	_ =	strace $0x90000046  }
0xb1: {  	s29 =	simm.s32 $0x9;
	_ =	strace $0x80000048  }
0xb2: {  	_ =	swait.ge [sflag:s29], $0x1  }
0xb3: {  	[sflag:s29] =	ssyncadd.s32 $0xFFFFFFFF  }
0xb4: {  	_ =	strace $0x90000048  }
0xb5: {  	_ =	sfence  }
0xb6: {  	s30 =	sld [smem:$0x0];
	_ =	sdelay $0x2  }
0xb7: {  	s31 =	sshll.u32 s1, $0xD;
	s1 =	sshrl.u32 s1, $0x2  }
0xb8: {  	s3 =	sand.u32 $0x4000, s31;
	s1 =	sadd.s32 s1, s30  }
0xb9: {  	s0 =	sor.u32 s3, s0;
	s1 =	sshll.u32 s1, $0x11  }
0xba: {  	s0 =	sor.u32 s1, s0  }
0xbb: {  	s0 =	sadd.s32 $0x8F2B, s0  }
0xbc: {  	[sflag:s0] =	ssyncadd.remote.s32 $0x1  }
0xbd: {  	_ =	sfence.sel $0xFFFF  }
0xbe: {  	[dreg:$0x0] =	wrdreg $0xFFFFFFFF;
	(pc) =	sbr.abs _section_cstart, $3  }
0xbf: {  	[dreg:$0x1] =	wrdreg $0xFFFFFFFF  }
0xc0: {  	_ =	task.clear_ibuf [dreg:s6], $0x2FFFF;
	_ =	strace $0x9FFFFFFF  }
0xc1: {  	(tm) =	ssettm $0x7FFFFFFF  }
tec
execute0_lowered:
.L_overlay_start_1:
0x0: {  	(tag) =	ssettag $0x1  }
0x1: {  	s2 =	stileid.u32  }
0x2: {  	s12 =	rddreg [dreg:$0x0];
	s6 =	sshll.u32 s2, $0x1;
	s2 =	simm.s32 $0x0  }
0x3: {  	s17 =	simm.s32 $0x1C00;
	[smem:$0x7FF] =	sst s2  }
0x4: {  	s18 =	simm.s32 $0x100;
	_ =	strace $0x80000047;
	[dreg:$0xe] =	wrdreg s17  }
0x5: {  	s19 =	simm.s32 $0x2C00;
	[dreg:$0xf] =	wrdreg s18  }
0x6: {  	s20 =	simm.s32 $0x180;
	[dreg:$0x10] =	wrdreg s19  }
0x7: {  	s21 =	simm.s32 $0x3C00;
	[dreg:$0x11] =	wrdreg s20  }
0x8: {  	s22 =	simm.s32 $0x280;
	[dreg:$0x12] =	wrdreg s21  }
0x9: {  	s23 =	simm.s32 $0x5C00;
	[dreg:$0x13] =	wrdreg s22  }
0xa: {  	s24 =	simm.s32 $0x300;
	[dreg:$0x14] =	wrdreg s23  }
0xb: {  	s0 =	srdreg.scid;
	s25 =	simm.s32 $0x6C00;
	[dreg:$0x15] =	wrdreg s24  }
0xc: {  	s26 =	simm.s32 $0x380;
	s1 =	sand.u32 $0x1, s0;
	[dreg:$0x16] =	wrdreg s25  }
0xd: {  	s5 =	simm.s32 $0x9C00;
	s0 =	sor.u32 s1, s6;
	[dreg:$0x17] =	wrdreg s26  }
0xe: {  	s6 =	simm.s32 $0x500;
	s3 =	sshll.u32 s0, $0x6;
	[dreg:$0x1a] =	wrdreg s5  }
0xf: {  	[dreg:$0x1b] =	wrdreg s6;
	s17 =	simm.s32 $0xFC00;
	s3 =	sadd.s32 s3, s12  }
0x10: {  	[smem:$0x7FA] =	sst s17;
	s4 =	sadd.s32 $0xA00, s3  }
0x11: {  	s7 =	sadd.s32 $0x1200, s3;
	[dreg:$0x2] =	wrdreg s4  }
0x12: {  	s8 =	sadd.s32 $0x1A00, s3;
	[dreg:$0x3] =	wrdreg s7  }
0x13: {  	s9 =	sadd.s32 $0x2200, s3;
	[dreg:$0x4] =	wrdreg s8  }
0x14: {  	s0 =	sshll.u32 s0, $0xB;
	s10 =	sadd.s32 $0x2A00, s3;
	[dreg:$0x5] =	wrdreg s9  }
0x15: {  	s0 =	sadd.s32 s0, s12;
	s3 =	sadd.s32 $0x3200, s3;
	[dreg:$0x6] =	wrdreg s10  }
0x16: {  	s11 =	sadd.s32 $0x3A00, s0;
	[dreg:$0x7] =	wrdreg s3  }
0x17: {  	s13 =	sadd.s32 $0x13A00, s0;
	[dreg:$0x8] =	wrdreg s11  }
0x18: {  	s14 =	sadd.s32 $0x23A00, s0;
	[dreg:$0x9] =	wrdreg s13  }
0x19: {  	s15 =	sadd.s32 $0x33A00, s0;
	[dreg:$0xa] =	wrdreg s14  }
0x1a: {  	s16 =	sadd.s32 $0x43A00, s0;
	[dreg:$0xb] =	wrdreg s15  }
0x1b: {  	s0 =	sadd.s32 $0x53A00, s0;
	[dreg:$0xc] =	wrdreg s16  }
0x1c: {  	[dreg:$0xd] =	wrdreg s0;
	s3 =	simm.s32 $0x7C00  }
0x1d: {  	s4 =	simm.s32 $0x480;
	[dreg:$0x18] =	wrdreg s3  }
0x1e: {  	s7 =	simm.s32 $0xAC00;
	[dreg:$0x19] =	wrdreg s4  }
0x1f: {  	s8 =	simm.s32 $0x580;
	[dreg:$0x1c] =	wrdreg s7  }
0x20: {  	s9 =	simm.s32 $0xBC00;
	[dreg:$0x1d] =	wrdreg s8  }
0x21: {  	s10 =	simm.s32 $0x680;
	[dreg:$0x1e] =	wrdreg s9  }
0x22: {  	s11 =	simm.s32 $0xDC00;
	[dreg:$0x1f] =	wrdreg s10  }
0x23: {  	s13 =	simm.s32 $0x700;
	[smem:$0x7FB] =	sst s11  }
0x24: {  	s14 =	simm.s32 $0xEC00;
	[smem:$0x7FC] =	sst s13  }
0x25: {  	[smem:$0x7F9] =	sst s14  }
0x26: {  	s15 =	simm.s32 $0x780;
	s16 =	rddreg [dreg:$0x2]  }
0x27: {  	[smem:$0x7FD] =	sst s15;
	s3 =	simm.s32 $0x2  }
0x28: {  	[tilespmem:s2], [sflag:$0x2] =	stream.linear.gather [hbm4b:s16+s2], $0x200, $0x38;
	[tilespmem:$0x18C00] =	vst v63  }
0x29: {  	_ =	swait.ge [sflag:s3], $0x200  }
0x2a: {  	[sflag:s3] =	ssyncset.done $0x0  }
0x2b: {  	s4 =	simm.s32 $0x200;
	s18 =	rddreg [dreg:$0x3];
	[sflag:s3] =	ssyncadd.s32 $0xFFFFFE00  }
0x2c: {  	[tilespmem:s4], [sflag:$0x2] =	stream.linear.gather [hbm4b:s18+s2], $0x200, $0x38;
	[tilespmem:$0x18C00] =	vst v63  }
0x2d: {  	_ =	swait.ge [sflag:s3], $0x200  }
0x2e: {  	[sflag:s3] =	ssyncset.done $0x0  }
0x2f: {  	s5 =	simm.s32 $0x400;
	s19 =	rddreg [dreg:$0x4];
	[sflag:s3] =	ssyncadd.s32 $0xFFFFFE00  }
0x30: {  	[tilespmem:s5], [sflag:$0x2] =	stream.linear.gather [hbm4b:s19+s2], $0x200, $0x38;
	[tilespmem:$0x18C00] =	vst v63  }
0x31: {  	_ =	swait.ge [sflag:s3], $0x200  }
0x32: {  	[sflag:s3] =	ssyncset.done $0x0  }
0x33: {  	s6 =	simm.s32 $0x600;
	s20 =	rddreg [dreg:$0x5];
	[sflag:s3] =	ssyncadd.s32 $0xFFFFFE00  }
0x34: {  	[tilespmem:s6], [sflag:$0x2] =	stream.linear.gather [hbm4b:s20+s2], $0x200, $0x38;
	[tilespmem:$0x18C00] =	vst v63  }
0x35: {  	_ =	swait.ge [sflag:s3], $0x200  }
0x36: {  	[sflag:s3] =	ssyncset.done $0x0  }
0x37: {  	s7 =	simm.s32 $0x800;
	s21 =	rddreg [dreg:$0x6];
	[sflag:s3] =	ssyncadd.s32 $0xFFFFFE00  }
0x38: {  	[tilespmem:s7], [sflag:$0x2] =	stream.linear.gather [hbm4b:s21+s2], $0x200, $0x38;
	[tilespmem:$0x18C00] =	vst v63  }
0x39: {  	_ =	swait.ge [sflag:s3], $0x200  }
0x3a: {  	[sflag:s3] =	ssyncset.done $0x0  }
0x3b: {  	s8 =	simm.s32 $0xA00;
	s22 =	rddreg [dreg:$0x7];
	[sflag:s3] =	ssyncadd.s32 $0xFFFFFE00  }
0x3c: {  	[tilespmem:s8], [sflag:$0x2] =	stream.linear.gather [hbm4b:s22+s2], $0x200, $0x38;
	[tilespmem:$0x18C00] =	vst v63  }
0x3d: {  	_ =	swait.ge [sflag:s3], $0x200  }
0x3e: {  	s0 =	sld [smem:$0x7F9]  }
0x3f: {  	s15 =	rddreg [dreg:$0x1e]  }
0x40: {  	s16 =	rddreg [dreg:$0x1c]  }
0x41: {  	s14 =	rddreg [dreg:$0x18]  }
0x42: {  	s17 =	rddreg [dreg:$0x16]  }
0x43: {  	s18 =	rddreg [dreg:$0x14]  }
0x44: {  	s9 =	sadd.s32 $0x1313A00, s12;
	s13 =	rddreg [dreg:$0xf]  }
0x45: {  	s10 =	simm.s32 $0x80;
	[sflag:s3] =	ssyncset.done $0x0;
	s19 =	rddreg [dreg:$0xe]  }
0x46: {  	s11 =	simm.s32 $0xC00;
	s20 =	rddreg [dreg:$0x10];
	[sflag:s3] =	ssyncadd.s32 $0xFFFFFE00  }
0x47: {  	[tilespmem:s11], [sflag:$0x1] =	stream.indirect.gather [hbm4b:s9+s10], $0x20, s2, s10, $0xb8;
	[tilespmem:$0x18C00] =	vst v63  }
0x48: {  	s21 =	rddreg [dreg:$0x12]  }
0x49: {  	[tilespmem:s19], [sflag:$0x1] =	stream.indirect.gather [hbm4b:s9+s10], $0x20, s10, s10, $0xb8;
	[tilespmem:$0x18C00] =	vst v63  }
0x4a: {  	s23 =	rddreg [dreg:$0x11]  }
0x4b: {  	[tilespmem:s20], [sflag:$0x1] =	stream.indirect.gather [hbm4b:s9+s10], $0x20, s13, s10, $0xb8;
	[tilespmem:$0x18C00] =	vst v63  }
0x4c: {  	s24 =	rddreg [dreg:$0x13]  }
0x4d: {  	[tilespmem:s21], [sflag:$0x1] =	stream.indirect.gather [hbm4b:s9+s10], $0x20, s23, s10, $0xb8;
	[tilespmem:$0x18C00] =	vst v63  }
0x4e: {  	s12 =	sadd.s32 $0xF43000, s12;
	s25 =	rddreg [dreg:$0x15];
	s13 =	simm.s32 $0x4C00  }
0x4f: {  	[tilespmem:s13], [sflag:$0x1] =	stream.indirect.gather [hbm4b:s12+s10], $0x20, s4, s10, $0xb8;
	[tilespmem:$0x18C00] =	vst v63  }
0x50: {  	s26 =	rddreg [dreg:$0x17]  }
0x51: {  	[tilespmem:s18], [sflag:$0x1] =	stream.indirect.gather [hbm4b:s12+s10], $0x20, s24, s10, $0xb8;
	[tilespmem:$0x18C00] =	vst v63  }
0x52: {  	s22 =	rddreg [dreg:$0x1b]  }
0x53: {  	[tilespmem:s17], [sflag:$0x1] =	stream.indirect.gather [hbm4b:s12+s10], $0x20, s25, s10, $0xb8;
	[tilespmem:$0x18C00] =	vst v63  }
0x54: {  	s19 =	rddreg [dreg:$0x1a]  }
0x55: {  	[tilespmem:s14], [sflag:$0x1] =	stream.indirect.gather [hbm4b:s12+s10], $0x20, s26, s10, $0xb8;
	[tilespmem:$0x18C00] =	vst v63  }
0x56: {  	s20 =	sld [smem:$0x7FA];
	s14 =	simm.s32 $0x8C00  }
0x57: {  	[tilespmem:s14], [sflag:$0x1] =	stream.indirect.gather [hbm4b:s9+s10], $0x20, s5, s10, $0xb8;
	[tilespmem:$0x18C00] =	vst v63  }
0x58: {  	s21 =	rddreg [dreg:$0x19]  }
0x59: {  	[tilespmem:s19], [sflag:$0x1] =	stream.indirect.gather [hbm4b:s9+s10], $0x20, s21, s10, $0xb8;
	[tilespmem:$0x18C00] =	vst v63  }
0x5a: {  	s23 =	rddreg [dreg:$0x1d]  }
0x5b: {  	[tilespmem:s16], [sflag:$0x1] =	stream.indirect.gather [hbm4b:s9+s10], $0x20, s22, s10, $0xb8;
	[tilespmem:$0x18C00] =	vst v63  }
0x5c: {  	s24 =	sld [smem:$0x7FB]  }
0x5d: {  	[tilespmem:s15], [sflag:$0x1] =	stream.indirect.gather [hbm4b:s9+s10], $0x20, s23, s10, $0xb8;
	[tilespmem:$0x18C00] =	vst v63  }
0x5e: {  	s25 =	rddreg [dreg:$0x1f];
	s15 =	simm.s32 $0xCC00  }
0x5f: {  	[tilespmem:s15], [sflag:$0x1] =	stream.indirect.gather [hbm4b:s9+s10], $0x20, s6, s10, $0xb8;
	[tilespmem:$0x18C00] =	vst v63  }
0x60: {  	s26 =	sld [smem:$0x7FC]  }
0x61: {  	[tilespmem:s24], [sflag:$0x1] =	stream.indirect.gather [hbm4b:s9+s10], $0x20, s25, s10, $0xb8;
	[tilespmem:$0x18C00] =	vst v63  }
0x62: {  	s19 =	sld [smem:$0x7FD]  }
0x63: {  	[tilespmem:s0], [sflag:$0x1] =	stream.indirect.gather [hbm4b:s9+s10], $0x20, s26, s10, $0xb8;
	[tilespmem:$0x18C00] =	vst v63  }
0x64: {  	_ = 	snop  }
0x65: {  	[tilespmem:s20], [sflag:$0x1] =	stream.indirect.gather [hbm4b:s9+s10], $0x20, s19, s10, $0xb8;
	[tilespmem:$0x18C00] =	vst v63  }
0x66: {  	s16 =	simm.s32 $0x10C00  }
0x67: {  	[tilespmem:s16], [sflag:$0x1] =	stream.indirect.gather [hbm4b:s12+s10], $0x20, s7, s10, $0xb8;
	[tilespmem:$0x18C00] =	vst v63  }
0x68: {  	s21 =	simm.s32 $0x880;
	s22 =	simm.s32 $0x11C00  }
0x69: {  	[tilespmem:s22], [sflag:$0x1] =	stream.indirect.gather [hbm4b:s12+s10], $0x20, s21, s10, $0xb8;
	[tilespmem:$0x18C00] =	vst v63  }
0x6a: {  	s23 =	simm.s32 $0x900;
	s24 =	simm.s32 $0x12C00  }
0x6b: {  	[tilespmem:s24], [sflag:$0x1] =	stream.indirect.gather [hbm4b:s12+s10], $0x20, s23, s10, $0xb8;
	[tilespmem:$0x18C00] =	vst v63  }
0x6c: {  	s25 =	simm.s32 $0x980;
	s26 =	simm.s32 $0x13C00  }
0x6d: {  	[tilespmem:s26], [sflag:$0x1] =	stream.indirect.gather [hbm4b:s12+s10], $0x20, s25, s10, $0xb8;
	[tilespmem:$0x18C00] =	vst v63  }
0x6e: {  	s19 =	simm.s32 $0x14C00  }
0x6f: {  	[tilespmem:s19], [sflag:$0x1] =	stream.indirect.gather [hbm4b:s9+s10], $0x20, s8, s10, $0xb8;
	[tilespmem:$0x18C00] =	vst v63  }
0x70: {  	s18 =	simm.s32 $0xA80;
	s20 =	simm.s32 $0x15C00  }
0x71: {  	[tilespmem:s20], [sflag:$0x1] =	stream.indirect.gather [hbm4b:s9+s10], $0x20, s18, s10, $0xb8;
	[tilespmem:$0x18C00] =	vst v63  }
0x72: {  	s28 =	simm.s32 $0x16C00;
	s21 =	simm.s32 $0xB00  }
0x73: {  	[tilespmem:s28], [sflag:$0x1] =	stream.indirect.gather [hbm4b:s9+s10], $0x20, s21, s10, $0xb8;
	[tilespmem:$0x18C00] =	vst v63  }
0x74: {  	s29 =	simm.s32 $0xB80;
	s30 =	simm.s32 $0x17C00;
	s31 =	simm.s32 $0x1  }
0x75: {  	[tilespmem:s30], [sflag:$0x1] =	stream.indirect.gather [hbm4b:s9+s10], $0x20, s29, s10, $0xb8;
	[tilespmem:$0x18C00] =	vst v63  }
0x76: {  	_ =	swait.ge [sflag:s31], $0x1000  }
0x77: {  	[sflag:s31] =	ssyncset.done $0x0  }
0x78: {  	[sflag:s31] =	ssyncadd.s32 $0xFFFFF000  }
0x79: {  	_ =	swait.ge [sflag:s31], $0x1000  }
0x7a: {  	[sflag:s31] =	ssyncset.done $0x0  }
0x7b: {  	[sflag:s31] =	ssyncadd.s32 $0xFFFFF000  }
0x7c: {  	_ =	swait.ge [sflag:s31], $0x1000  }
0x7d: {  	[sflag:s31] =	ssyncset.done $0x0  }
0x7e: {  	[sflag:s31] =	ssyncadd.s32 $0xFFFFF000  }
0x7f: {  	_ =	swait.ge [sflag:s31], $0x1000  }
0x80: {  	[sflag:s31] =	ssyncset.done $0x0  }
0x81: {  	[sflag:s31] =	ssyncadd.s32 $0xFFFFF000  }
0x82: {  	_ =	swait.ge [sflag:s31], $0x1000  }
0x83: {  	[sflag:s31] =	ssyncset.done $0x0  }
0x84: {  	[sflag:s31] =	ssyncadd.s32 $0xFFFFF000  }
0x85: {  	_ =	swait.ge [sflag:s31], $0x1000  }
0x86: {  	[sflag:s31] =	ssyncset.done $0x0  }
0x87: {  	[sflag:s31] =	ssyncadd.s32 $0xFFFFF000  }
0x88: {  	_ =	swait.ge [sflag:s31], $0x1000  }
0x89: {  	[sflag:s31] =	ssyncset.done $0x0  }
0x8a: {  	[sflag:s31] =	ssyncadd.s32 $0xFFFFF000  }
0x8b: {  	_ =	swait.ge [sflag:s31], $0x1000  }
0x8c: {  	[sflag:s31] =	ssyncset.done $0x0  }
0x8d: {  	[sflag:s31] =	ssyncadd.s32 $0xFFFFF000  }
0x8e: {  	_ =	swait.ge [sflag:s31], $0x1000  }
0x8f: {  	[sflag:s31] =	ssyncset.done $0x0  }
0x90: {  	[sflag:s31] =	ssyncadd.s32 $0xFFFFF000  }
0x91: {  	_ =	swait.ge [sflag:s31], $0x1000  }
0x92: {  	[sflag:s31] =	ssyncset.done $0x0  }
0x93: {  	[sflag:s31] =	ssyncadd.s32 $0xFFFFF000  }
0x94: {  	_ =	swait.ge [sflag:s31], $0x1000  }
0x95: {  	[sflag:s31] =	ssyncset.done $0x0  }
0x96: {  	[sflag:s31] =	ssyncadd.s32 $0xFFFFF000  }
0x97: {  	_ =	swait.ge [sflag:s31], $0x1000  }
0x98: {  	[sflag:s31] =	ssyncset.done $0x0  }
0x99: {  	[sflag:s31] =	ssyncadd.s32 $0xFFFFF000  }
0x9a: {  	_ =	swait.ge [sflag:s31], $0x1000  }
0x9b: {  	[sflag:s31] =	ssyncset.done $0x0  }
0x9c: {  	[sflag:s31] =	ssyncadd.s32 $0xFFFFF000  }
0x9d: {  	_ =	swait.ge [sflag:s31], $0x1000  }
0x9e: {  	[sflag:s31] =	ssyncset.done $0x0  }
0x9f: {  	[sflag:s31] =	ssyncadd.s32 $0xFFFFF000  }
0xa0: {  	_ =	swait.ge [sflag:s31], $0x1000  }
0xa1: {  	[sflag:s31] =	ssyncset.done $0x0  }
0xa2: {  	[sflag:s31] =	ssyncadd.s32 $0xFFFFF000  }
0xa3: {  	_ =	swait.ge [sflag:s31], $0x1000  }
0xa4: {  	[sflag:s31] =	ssyncset.done $0x0  }
0xa5: {  	[sflag:s31] =	ssyncadd.s32 $0xFFFFF000  }
0xa6: {  	_ =	swait.ge [sflag:s31], $0x1000  }
0xa7: {  	[sflag:s31] =	ssyncset.done $0x0  }
0xa8: {  	[sflag:s31] =	ssyncadd.s32 $0xFFFFF000  }
0xa9: {  	_ =	swait.ge [sflag:s31], $0x1000  }
0xaa: {  	[sflag:s31] =	ssyncset.done $0x0  }
0xab: {  	[sflag:s31] =	ssyncadd.s32 $0xFFFFF000  }
0xac: {  	_ =	swait.ge [sflag:s31], $0x1000  }
0xad: {  	[sflag:s31] =	ssyncset.done $0x0  }
0xae: {  	[sflag:s31] =	ssyncadd.s32 $0xFFFFF000  }
0xaf: {  	_ =	swait.ge [sflag:s31], $0x1000  }
0xb0: {  	[sflag:s31] =	ssyncset.done $0x0  }
0xb1: {  	[sflag:s31] =	ssyncadd.s32 $0xFFFFF000  }
0xb2: {  	_ =	swait.ge [sflag:s31], $0x1000  }
0xb3: {  	[sflag:s31] =	ssyncset.done $0x0  }
0xb4: {  	[sflag:s31] =	ssyncadd.s32 $0xFFFFF000  }
0xb5: {  	_ =	swait.ge [sflag:s31], $0x1000  }
0xb6: {  	[sflag:s31] =	ssyncset.done $0x0  }
0xb7: {  	[sflag:s31] =	ssyncadd.s32 $0xFFFFF000  }
0xb8: {  	_ =	swait.ge [sflag:s31], $0x1000  }
0xb9: {  	[sflag:s31] =	ssyncset.done $0x0  }
0xba: {  	[sflag:s31] =	ssyncadd.s32 $0xFFFFF000  }
0xbb: {  	_ =	swait.ge [sflag:s31], $0x1000  }
0xbc: {  	[sflag:s31] =	ssyncset.done $0x0  }
0xbd: {  	s22 =	rddreg [dreg:$0x8];
	[sflag:s31] =	ssyncadd.s32 $0xFFFFF000  }
0xbe: {  	[hbm4b:s22+s2] =	stream.linear.scatter [tilespmem:s11], [sflag:$0x2], $0x4000, $0x38;
	[tilespmem:$0x18C00] =	vst v63  }
0xbf: {  	_ =	swait.ge [sflag:s3], $0x4000  }
0xc0: {  	[sflag:s3] =	ssyncset.done $0x0  }
0xc1: {  	s23 =	rddreg [dreg:$0x9];
	[sflag:s3] =	ssyncadd.s32 $0xFFFFC000  }
0xc2: {  	[hbm4b:s23+s2] =	stream.linear.scatter [tilespmem:s13], [sflag:$0x2], $0x4000, $0x38;
	[tilespmem:$0x18C00] =	vst v63  }
0xc3: {  	s25 =	ssub.s32 $0x2, s1;
	_ =	swait.ge [sflag:s3], $0x4000  }
0xc4: {  	s1 =	sshrl.u32 s25, $0x1;
	[sflag:s3] =	ssyncset.done $0x0  }
0xc5: {  	s0 =	ssub.s32 s25, s1;
	s24 =	rddreg [dreg:$0xa];
	[sflag:s3] =	ssyncadd.s32 $0xFFFFC000  }
0xc6: {  	[hbm4b:s24+s2] =	stream.linear.scatter [tilespmem:s14], [sflag:$0x2], $0x4000, $0x38;
	[tilespmem:$0x18C00] =	vst v63  }
0xc7: {  	s0 =	smax.u32 s0, $0x1;
	_ =	swait.ge [sflag:s3], $0x4000  }
0xc8: {  	p0 =	sne.s32 s0, $0x1;
	[sflag:s3] =	ssyncset.done $0x0  }
.Ltmp0:
0xc9: {  	s26 =	rddreg [dreg:$0xb];
	[sflag:s3] =	ssyncadd.s32 $0xFFFFC000;
	(pc) =	sbr.rel @!p0 .LBB2_2-.Ltmp0, $4  }
0xca: {  	[hbm4b:s26+s2] =	stream.linear.scatter [tilespmem:s15], [sflag:$0x2], $0x4000, $0x38;
	[tilespmem:$0x18C00] =	vst v63  }
0xcb: {  	_ =	swait.ge [sflag:s3], $0x4000  }
0xcc: {  	[sflag:s3] =	ssyncset.done $0x0  }
0xcd: {  	s1 =	sadd.s32 $0xFFFFFFFF, s0;
	s0 =	rddreg [dreg:$0xc];
	[sflag:s3] =	ssyncadd.s32 $0xFFFFC000  }
.LBB2_1:
0xce: {  	[hbm4b:s0+s2] =	stream.linear.scatter [tilespmem:s16], [sflag:$0x2], $0x4000, $0x38;
	[tilespmem:$0x18C00] =	vst v63  }
0xcf: {  	_ =	swait.ge [sflag:s3], $0x4000  }
0xd0: {  	[sflag:s3] =	ssyncset.done $0x0  }
0xd1: {  	s17 =	rddreg [dreg:$0xd];
	[sflag:s3] =	ssyncadd.s32 $0xFFFFC000  }
0xd2: {  	[hbm4b:s17+s2] =	stream.linear.scatter [tilespmem:s19], [sflag:$0x2], $0x4000, $0x38;
	[tilespmem:$0x18C00] =	vst v63  }
0xd3: {  	_ =	swait.ge [sflag:s3], $0x4000  }
0xd4: {  	[sflag:s3] =	ssyncset.done $0x0  }
0xd5: {  	s18 =	rddreg [dreg:$0x2];
	[sflag:s3] =	ssyncadd.s32 $0xFFFFC000  }
0xd6: {  	[tilespmem:s2], [sflag:$0x2] =	stream.linear.gather [hbm4b:s18+s2], $0x200, $0x38;
	[tilespmem:$0x18C00] =	vst v63  }
0xd7: {  	_ =	swait.ge [sflag:s3], $0x200  }
0xd8: {  	[sflag:s3] =	ssyncset.done $0x0  }
0xd9: {  	s20 =	rddreg [dreg:$0x3];
	[sflag:s3] =	ssyncadd.s32 $0xFFFFFE00  }
0xda: {  	[tilespmem:s4], [sflag:$0x2] =	stream.linear.gather [hbm4b:s20+s2], $0x200, $0x38;
	[tilespmem:$0x18C00] =	vst v63  }
0xdb: {  	_ =	swait.ge [sflag:s3], $0x200  }
0xdc: {  	[sflag:s3] =	ssyncset.done $0x0  }
0xdd: {  	s21 =	rddreg [dreg:$0x4];
	[sflag:s3] =	ssyncadd.s32 $0xFFFFFE00  }
0xde: {  	[tilespmem:s5], [sflag:$0x2] =	stream.linear.gather [hbm4b:s21+s2], $0x200, $0x38;
	[tilespmem:$0x18C00] =	vst v63  }
0xdf: {  	_ =	swait.ge [sflag:s3], $0x200  }
0xe0: {  	[sflag:s3] =	ssyncset.done $0x0  }
0xe1: {  	s22 =	rddreg [dreg:$0x5];
	[sflag:s3] =	ssyncadd.s32 $0xFFFFFE00  }
0xe2: {  	[tilespmem:s6], [sflag:$0x2] =	stream.linear.gather [hbm4b:s22+s2], $0x200, $0x38;
	[tilespmem:$0x18C00] =	vst v63  }
0xe3: {  	_ =	swait.ge [sflag:s3], $0x200  }
0xe4: {  	[sflag:s3] =	ssyncset.done $0x0  }
0xe5: {  	s23 =	rddreg [dreg:$0x6];
	[sflag:s3] =	ssyncadd.s32 $0xFFFFFE00  }
0xe6: {  	[tilespmem:s7], [sflag:$0x2] =	stream.linear.gather [hbm4b:s23+s2], $0x200, $0x38;
	[tilespmem:$0x18C00] =	vst v63  }
0xe7: {  	_ =	swait.ge [sflag:s3], $0x200  }
0xe8: {  	[sflag:s3] =	ssyncset.done $0x0  }
0xe9: {  	s24 =	rddreg [dreg:$0x7];
	[sflag:s3] =	ssyncadd.s32 $0xFFFFFE00  }
0xea: {  	[tilespmem:s8], [sflag:$0x2] =	stream.linear.gather [hbm4b:s24+s2], $0x200, $0x38;
	[tilespmem:$0x18C00] =	vst v63  }
0xeb: {  	_ =	swait.ge [sflag:s3], $0x200  }
0xec: {  	s0 =	sld [smem:$0x7F9]  }
0xed: {  	s17 =	rddreg [dreg:$0x1e]  }
0xee: {  	s18 =	rddreg [dreg:$0x1c]  }
0xef: {  	s20 =	rddreg [dreg:$0x18]  }
0xf0: {  	s21 =	rddreg [dreg:$0x16]  }
0xf1: {  	s22 =	rddreg [dreg:$0x14]  }
0xf2: {  	s23 =	rddreg [dreg:$0xf]  }
0xf3: {  	[sflag:s3] =	ssyncset.done $0x0;
	s24 =	rddreg [dreg:$0xe]  }
0xf4: {  	s25 =	rddreg [dreg:$0x10];
	[sflag:s3] =	ssyncadd.s32 $0xFFFFFE00  }
0xf5: {  	[tilespmem:s11], [sflag:$0x1] =	stream.indirect.gather [hbm4b:s9+s10], $0x20, s2, s10, $0xb8;
	[tilespmem:$0x18C00] =	vst v63  }
0xf6: {  	s26 =	rddreg [dreg:$0x12]  }
0xf7: {  	[tilespmem:s24], [sflag:$0x1] =	stream.indirect.gather [hbm4b:s9+s10], $0x20, s10, s10, $0xb8;
	[tilespmem:$0x18C00] =	vst v63  }
0xf8: {  	s24 =	rddreg [dreg:$0x11]  }
0xf9: {  	[tilespmem:s25], [sflag:$0x1] =	stream.indirect.gather [hbm4b:s9+s10], $0x20, s23, s10, $0xb8;
	[tilespmem:$0x18C00] =	vst v63  }
0xfa: {  	s23 =	sld [smem:$0x7FA]  }
0xfb: {  	[tilespmem:s26], [sflag:$0x1] =	stream.indirect.gather [hbm4b:s9+s10], $0x20, s24, s10, $0xb8;
	[tilespmem:$0x18C00] =	vst v63  }
0xfc: {  	s25 =	rddreg [dreg:$0x13]  }
0xfd: {  	[tilespmem:s13], [sflag:$0x1] =	stream.indirect.gather [hbm4b:s12+s10], $0x20, s4, s10, $0xb8;
	[tilespmem:$0x18C00] =	vst v63  }
0xfe: {  	s26 =	rddreg [dreg:$0x15]  }
0xff: {  	[tilespmem:s22], [sflag:$0x1] =	stream.indirect.gather [hbm4b:s12+s10], $0x20, s25, s10, $0xb8;
	[tilespmem:$0x18C00] =	vst v63  }
0x100: {  	s24 =	rddreg [dreg:$0x17]  }
0x101: {  	[tilespmem:s21], [sflag:$0x1] =	stream.indirect.gather [hbm4b:s12+s10], $0x20, s26, s10, $0xb8;
	[tilespmem:$0x18C00] =	vst v63  }
0x102: {  	s22 =	rddreg [dreg:$0x19]  }
0x103: {  	[tilespmem:s20], [sflag:$0x1] =	stream.indirect.gather [hbm4b:s12+s10], $0x20, s24, s10, $0xb8;
	[tilespmem:$0x18C00] =	vst v63  }
0x104: {  	s25 =	rddreg [dreg:$0x1d]  }
0x105: {  	[tilespmem:s14], [sflag:$0x1] =	stream.indirect.gather [hbm4b:s9+s10], $0x20, s5, s10, $0xb8;
	[tilespmem:$0x18C00] =	vst v63  }
0x106: {  	s26 =	rddreg [dreg:$0x1a]  }
0x107: {  	[tilespmem:s26], [sflag:$0x1] =	stream.indirect.gather [hbm4b:s9+s10], $0x20, s22, s10, $0xb8;
	[tilespmem:$0x18C00] =	vst v63  }
0x108: {  	s24 =	rddreg [dreg:$0x1b]  }
0x109: {  	[tilespmem:s18], [sflag:$0x1] =	stream.indirect.gather [hbm4b:s9+s10], $0x20, s24, s10, $0xb8;
	[tilespmem:$0x18C00] =	vst v63  }
0x10a: {  	s21 =	sld [smem:$0x7FC]  }
0x10b: {  	[tilespmem:s17], [sflag:$0x1] =	stream.indirect.gather [hbm4b:s9+s10], $0x20, s25, s10, $0xb8;
	[tilespmem:$0x18C00] =	vst v63  }
0x10c: {  	s26 =	sld [smem:$0x7FB]  }
0x10d: {  	[tilespmem:s15], [sflag:$0x1] =	stream.indirect.gather [hbm4b:s9+s10], $0x20, s6, s10, $0xb8;
	[tilespmem:$0x18C00] =	vst v63  }
0x10e: {  	s20 =	rddreg [dreg:$0x1f]  }
0x10f: {  	[tilespmem:s26], [sflag:$0x1] =	stream.indirect.gather [hbm4b:s9+s10], $0x20, s20, s10, $0xb8;
	[tilespmem:$0x18C00] =	vst v63  }
0x110: {  	s22 =	sld [smem:$0x7FD]  }
0x111: {  	[tilespmem:s0], [sflag:$0x1] =	stream.indirect.gather [hbm4b:s9+s10], $0x20, s21, s10, $0xb8;
	[tilespmem:$0x18C00] =	vst v63  }
0x112: {  	_ = 	snop  }
0x113: {  	[tilespmem:s23], [sflag:$0x1] =	stream.indirect.gather [hbm4b:s9+s10], $0x20, s22, s10, $0xb8;
	[tilespmem:$0x18C00] =	vst v63  }
0x114: {  	_ = 	snop  }
0x115: {  	[tilespmem:s16], [sflag:$0x1] =	stream.indirect.gather [hbm4b:s12+s10], $0x20, s7, s10, $0xb8;
	[tilespmem:$0x18C00] =	vst v63  }
0x116: {  	s24 =	simm.s32 $0x11C00;
	s23 =	simm.s32 $0x880  }
0x117: {  	[tilespmem:s24], [sflag:$0x1] =	stream.indirect.gather [hbm4b:s12+s10], $0x20, s23, s10, $0xb8;
	[tilespmem:$0x18C00] =	vst v63  }
0x118: {  	s25 =	simm.s32 $0x900;
	s26 =	simm.s32 $0x12C00  }
0x119: {  	[tilespmem:s26], [sflag:$0x1] =	stream.indirect.gather [hbm4b:s12+s10], $0x20, s25, s10, $0xb8;
	[tilespmem:$0x18C00] =	vst v63  }
0x11a: {  	s18 =	simm.s32 $0x13C00;
	s17 =	simm.s32 $0x980  }
0x11b: {  	[tilespmem:s18], [sflag:$0x1] =	stream.indirect.gather [hbm4b:s12+s10], $0x20, s17, s10, $0xb8;
	[tilespmem:$0x18C00] =	vst v63  }
0x11c: {  	_ = 	snop  }
0x11d: {  	[tilespmem:s19], [sflag:$0x1] =	stream.indirect.gather [hbm4b:s9+s10], $0x20, s8, s10, $0xb8;
	[tilespmem:$0x18C00] =	vst v63  }
0x11e: {  	s20 =	simm.s32 $0xA80;
	s21 =	simm.s32 $0x15C00  }
0x11f: {  	[tilespmem:s21], [sflag:$0x1] =	stream.indirect.gather [hbm4b:s9+s10], $0x20, s20, s10, $0xb8;
	[tilespmem:$0x18C00] =	vst v63  }
0x120: {  	s22 =	simm.s32 $0xB00  }
0x121: {  	[tilespmem:s28], [sflag:$0x1] =	stream.indirect.gather [hbm4b:s9+s10], $0x20, s22, s10, $0xb8;
	[tilespmem:$0x18C00] =	vst v63  }
0x122: {  	_ = 	snop  }
0x123: {  	[tilespmem:s30], [sflag:$0x1] =	stream.indirect.gather [hbm4b:s9+s10], $0x20, s29, s10, $0xb8;
	[tilespmem:$0x18C00] =	vst v63  }
0x124: {  	_ =	swait.ge [sflag:s31], $0x1000  }
0x125: {  	[sflag:s31] =	ssyncset.done $0x0  }
0x126: {  	[sflag:s31] =	ssyncadd.s32 $0xFFFFF000  }
0x127: {  	_ =	swait.ge [sflag:s31], $0x1000  }
0x128: {  	[sflag:s31] =	ssyncset.done $0x0  }
0x129: {  	[sflag:s31] =	ssyncadd.s32 $0xFFFFF000  }
0x12a: {  	_ =	swait.ge [sflag:s31], $0x1000  }
0x12b: {  	[sflag:s31] =	ssyncset.done $0x0  }
0x12c: {  	[sflag:s31] =	ssyncadd.s32 $0xFFFFF000  }
0x12d: {  	_ =	swait.ge [sflag:s31], $0x1000  }
0x12e: {  	[sflag:s31] =	ssyncset.done $0x0  }
0x12f: {  	[sflag:s31] =	ssyncadd.s32 $0xFFFFF000  }
0x130: {  	_ =	swait.ge [sflag:s31], $0x1000  }
0x131: {  	[sflag:s31] =	ssyncset.done $0x0  }
0x132: {  	[sflag:s31] =	ssyncadd.s32 $0xFFFFF000  }
0x133: {  	_ =	swait.ge [sflag:s31], $0x1000  }
0x134: {  	[sflag:s31] =	ssyncset.done $0x0  }
0x135: {  	[sflag:s31] =	ssyncadd.s32 $0xFFFFF000  }
0x136: {  	_ =	swait.ge [sflag:s31], $0x1000  }
0x137: {  	[sflag:s31] =	ssyncset.done $0x0  }
0x138: {  	[sflag:s31] =	ssyncadd.s32 $0xFFFFF000  }
0x139: {  	_ =	swait.ge [sflag:s31], $0x1000  }
0x13a: {  	[sflag:s31] =	ssyncset.done $0x0  }
0x13b: {  	[sflag:s31] =	ssyncadd.s32 $0xFFFFF000  }
0x13c: {  	_ =	swait.ge [sflag:s31], $0x1000  }
0x13d: {  	[sflag:s31] =	ssyncset.done $0x0  }
0x13e: {  	[sflag:s31] =	ssyncadd.s32 $0xFFFFF000  }
0x13f: {  	_ =	swait.ge [sflag:s31], $0x1000  }
0x140: {  	[sflag:s31] =	ssyncset.done $0x0  }
0x141: {  	[sflag:s31] =	ssyncadd.s32 $0xFFFFF000  }
0x142: {  	_ =	swait.ge [sflag:s31], $0x1000  }
0x143: {  	[sflag:s31] =	ssyncset.done $0x0  }
0x144: {  	[sflag:s31] =	ssyncadd.s32 $0xFFFFF000  }
0x145: {  	_ =	swait.ge [sflag:s31], $0x1000  }
0x146: {  	[sflag:s31] =	ssyncset.done $0x0  }
0x147: {  	[sflag:s31] =	ssyncadd.s32 $0xFFFFF000  }
0x148: {  	_ =	swait.ge [sflag:s31], $0x1000  }
0x149: {  	[sflag:s31] =	ssyncset.done $0x0  }
0x14a: {  	[sflag:s31] =	ssyncadd.s32 $0xFFFFF000  }
0x14b: {  	_ =	swait.ge [sflag:s31], $0x1000  }
0x14c: {  	[sflag:s31] =	ssyncset.done $0x0  }
0x14d: {  	[sflag:s31] =	ssyncadd.s32 $0xFFFFF000  }
0x14e: {  	_ =	swait.ge [sflag:s31], $0x1000  }
0x14f: {  	[sflag:s31] =	ssyncset.done $0x0  }
0x150: {  	[sflag:s31] =	ssyncadd.s32 $0xFFFFF000  }
0x151: {  	_ =	swait.ge [sflag:s31], $0x1000  }
0x152: {  	[sflag:s31] =	ssyncset.done $0x0  }
0x153: {  	[sflag:s31] =	ssyncadd.s32 $0xFFFFF000  }
0x154: {  	_ =	swait.ge [sflag:s31], $0x1000  }
0x155: {  	[sflag:s31] =	ssyncset.done $0x0  }
0x156: {  	[sflag:s31] =	ssyncadd.s32 $0xFFFFF000  }
0x157: {  	_ =	swait.ge [sflag:s31], $0x1000  }
0x158: {  	[sflag:s31] =	ssyncset.done $0x0  }
0x159: {  	[sflag:s31] =	ssyncadd.s32 $0xFFFFF000  }
0x15a: {  	_ =	swait.ge [sflag:s31], $0x1000  }
0x15b: {  	[sflag:s31] =	ssyncset.done $0x0  }
0x15c: {  	[sflag:s31] =	ssyncadd.s32 $0xFFFFF000  }
0x15d: {  	_ =	swait.ge [sflag:s31], $0x1000  }
0x15e: {  	[sflag:s31] =	ssyncset.done $0x0  }
0x15f: {  	[sflag:s31] =	ssyncadd.s32 $0xFFFFF000  }
0x160: {  	_ =	swait.ge [sflag:s31], $0x1000  }
0x161: {  	[sflag:s31] =	ssyncset.done $0x0  }
0x162: {  	[sflag:s31] =	ssyncadd.s32 $0xFFFFF000  }
0x163: {  	_ =	swait.ge [sflag:s31], $0x1000  }
0x164: {  	[sflag:s31] =	ssyncset.done $0x0  }
0x165: {  	[sflag:s31] =	ssyncadd.s32 $0xFFFFF000  }
0x166: {  	_ =	swait.ge [sflag:s31], $0x1000  }
0x167: {  	[sflag:s31] =	ssyncset.done $0x0  }
0x168: {  	[sflag:s31] =	ssyncadd.s32 $0xFFFFF000  }
0x169: {  	_ =	swait.ge [sflag:s31], $0x1000  }
0x16a: {  	[sflag:s31] =	ssyncset.done $0x0  }
0x16b: {  	s23 =	rddreg [dreg:$0x8];
	[sflag:s31] =	ssyncadd.s32 $0xFFFFF000  }
0x16c: {  	[hbm4b:s23+s2] =	stream.linear.scatter [tilespmem:s11], [sflag:$0x2], $0x4000, $0x38;
	[tilespmem:$0x18C00] =	vst v63  }
0x16d: {  	_ =	swait.ge [sflag:s3], $0x4000  }
0x16e: {  	[sflag:s3] =	ssyncset.done $0x0  }
0x16f: {  	s24 =	rddreg [dreg:$0x9];
	[sflag:s3] =	ssyncadd.s32 $0xFFFFC000  }
0x170: {  	[hbm4b:s24+s2] =	stream.linear.scatter [tilespmem:s13], [sflag:$0x2], $0x4000, $0x38;
	[tilespmem:$0x18C00] =	vst v63  }
0x171: {  	_ =	swait.ge [sflag:s3], $0x4000  }
0x172: {  	[sflag:s3] =	ssyncset.done $0x0  }
0x173: {  	s25 =	rddreg [dreg:$0xa];
	[sflag:s3] =	ssyncadd.s32 $0xFFFFC000  }
0x174: {  	[hbm4b:s25+s2] =	stream.linear.scatter [tilespmem:s14], [sflag:$0x2], $0x4000, $0x38;
	[tilespmem:$0x18C00] =	vst v63  }
0x175: {  	_ =	swait.ge [sflag:s3], $0x4000  }
0x176: {  	p0 =	sne.s32 s1, $0x1;
	[sflag:s3] =	ssyncset.done $0x0  }
.Ltmp1:
0x177: {  	s26 =	rddreg [dreg:$0xb];
	[sflag:s3] =	ssyncadd.s32 $0xFFFFC000;
	(pc) =	sbr.rel @p0 .LBB2_1-.Ltmp1, $4  }
0x178: {  	[hbm4b:s26+s2] =	stream.linear.scatter [tilespmem:s15], [sflag:$0x2], $0x4000, $0x38;
	[tilespmem:$0x18C00] =	vst v63  }
0x179: {  	_ =	swait.ge [sflag:s3], $0x4000  }
0x17a: {  	[sflag:s3] =	ssyncset.done $0x0  }
0x17b: {  	s1 =	sadd.s32 $0xFFFFFFFF, s1;
	s0 =	rddreg [dreg:$0xc];
	[sflag:s3] =	ssyncadd.s32 $0xFFFFC000  }
.LBB2_2:
0x17c: {  	[hbm4b:s0+s2] =	stream.linear.scatter [tilespmem:s16], [sflag:$0x2], $0x4000, $0x38;
	[tilespmem:$0x18C00] =	vst v63  }
0x17d: {  	_ =	swait.ge [sflag:s3], $0x4000  }
0x17e: {  	[sflag:s3] =	ssyncset.done $0x0  }
0x17f: {  	s30 =	rddreg [dreg:$0xd];
	[sflag:s3] =	ssyncadd.s32 $0xFFFFC000  }
0x180: {  	[hbm4b:s30+s2] =	stream.linear.scatter [tilespmem:s19], [sflag:$0x2], $0x4000, $0x38;
	[tilespmem:$0x18C00] =	vst v63  }
0x181: {  	_ =	swait.ge [sflag:s3], $0x4000  }
0x182: {  	[sflag:s3] =	ssyncset.done $0x0  }
0x183: {  	[sflag:s3] =	ssyncadd.s32 $0xFFFFC000  }
0x184: {  	_ =	sfence.sel $0x180000  }
0x185: {  	[bflag:$0x0] =	sbarrier.arrive $0xFFFF  }
0x186: {  	_ =	strace $0x90000047  }
0x187: {  	s31 =	stileid.u32;
	[bflag:$0x2] =	sbarrier.arrive $0xFFFF  }
0x188: {  	p0 =	sne.s32 s31, $0x0;
	s0 =	rddreg [dreg:$0x1]  }
0x189: {  	s0 =	sadd.s32 @!p0 $0x100000, s0  }
0x18a: {  	[sflag:s0] =	ssyncadd.tile.s32 @!p0 $0x1;
	_ =	shalt  }
.Lfunc_end2:
_tile_overlayer_lowered:
.L_overlay_start_2:
0x18b: {  	(tag) =	ssettag $0x2  }
0x18c: {  	s0 =	rddreg [dreg:$0x0];
	s2 =	stileid.u32  }
0x18d: {  	s1 =	rddreg [dreg:$0x1];
	p0 =	sne.s32 s2, $0x0  }
0x18e: {  	s3 =	rddreg [dreg:$0x2];
	[bflag:$0x3] =	sbarrier.arrive $0xFFFF;
	s2 =	simm.s32 @!p0 $0x1C02  }
0x18f: {  	[timem:s3], [sflag:s2] =	dma.local @!p0 [hbm:s0], s1  }
0x190: {  	s0 =	simm.s32 @!p0 $0x2  }
0x191: {  	_ =	swait.ge @!p0 [sflag:s0], s1  }
0x192: {  	s1 =	ssub.s32 @!p0 $0x0, s1;
	[sflag:s0] =	ssyncset.done @!p0 $0x0  }
0x193: {  	[sflag:s0] =	ssyncadd.s32 @!p0 s1  }
0x194: {  	[bflag:$0x3] =	sbarrier.arrive $0xFFFF  }
0x195: {  	_ =	shalt  }

</sc_bundles>
